<compile_context>
chip_gen: v7x
topology: tpu7x:2x2x1
jax: 0.10.2.dev20260603
libtpu: 0.0.44.dev20260713+nightly
codegen_flags: <defaults>
</compile_context>

<pallas_src>
import functools

import jax
import jax.numpy as jnp
from jax import lax
from jax.experimental import pallas as pl
from jax.experimental.pallas import tpu as pltpu
from jax.experimental.pallas import tpu_sc as plsc

_V = 4096
_D = 4
_TM = 1024
_SUB = 256
_L = 16384


def _dist_argmin_body(x_ref, cbt_ref, wsq_ref, idx_ref, lsum_ref):
    i = pl.program_id(0)
    x = x_ref[...]
    x2b = (2.0 * x).astype(jnp.bfloat16)
    xsq = (x[:, 0:1] * x[:, 0:1] + x[:, 1:2] * x[:, 1:2]) + (
        x[:, 2:3] * x[:, 2:3] + x[:, 3:4] * x[:, 3:4])
    mm2 = lax.dot_general(
        x2b, cbt_ref[...],
        dimension_numbers=(((1,), (0,)), ((), ())),
        preferred_element_type=jnp.float32,
    )
    wsq = wsq_ref[...]
    nchunk = _V // 128
    nsub = _TM // _SUB
    idx_parts = []
    lsum = jnp.zeros((1, 1), jnp.float32)
    lane = lax.broadcasted_iota(jnp.int32, (_SUB, 128), 1).astype(jnp.float32)
    for s in range(nsub):
        rows = slice(s * _SUB, (s + 1) * _SUB)
        xs = xsq[rows, :]
        m = (xs - mm2[rows, 0:128]) + wsq[:, 0:128]
        cfirst = jnp.zeros((_SUB, 128), jnp.float32)
        for c in range(1, nchunk):
            d = (xs - mm2[rows, c * 128:(c + 1) * 128]) + wsq[:, c * 128:(c + 1) * 128]
            flip = d < m
            m = jnp.where(flip, d, m)
            cfirst = jnp.where(flip, jnp.float32(c), cfirst)

        mtok = jnp.min(m, axis=1, keepdims=True)
        jl = cfirst * 128.0 + lane
        cand = jnp.where(m == mtok, jl, jnp.float32(_V))
        idx_parts.append(jnp.min(cand, axis=1).astype(jnp.int32).reshape(1, _SUB))
        lsum = lsum + jnp.sum(mtok).reshape(1, 1)
    idx_ref[...] = jnp.concatenate(idx_parts, axis=1).reshape(1, 1, _TM)

    @pl.when(i == 0)
    def _():
        lsum_ref[...] = jnp.zeros((1, 1), jnp.float32)

    lsum_ref[...] += lsum


def _dist_argmin(flat, cbt, wsq):
    n_tok = flat.shape[0]
    grid = n_tok // _TM
    return pl.pallas_call(
        _dist_argmin_body,
        grid=(grid,),
        in_specs=[
            pl.BlockSpec((_TM, _D), lambda i: (i, 0)),
            pl.BlockSpec((_D, _V), lambda i: (0, 0)),
            pl.BlockSpec((1, _V), lambda i: (0, 0)),
        ],
        out_specs=[
            pl.BlockSpec((1, 1, _TM), lambda i: (i, 0, 0)),
            pl.BlockSpec((1, 1), lambda i: (0, 0)),
        ],
        out_shape=[
            jax.ShapeDtypeStruct((grid, 1, _TM), jnp.int32),
            jax.ShapeDtypeStruct((1, 1), jnp.float32),
        ],
    )(flat, cbt, wsq)


def _sc_gather(table_flat, idx):
    n_tok = idx.shape[0]
    n_words = table_flat.shape[0]
    info = plsc.get_sparse_core_info()
    nw = info.num_cores * info.num_subcores
    b_per_w = n_tok // nw
    mesh = plsc.VectorSubcoreMesh(core_axis_name="c", subcore_axis_name="s")

    @functools.partial(
        pl.kernel, mesh=mesh,
        compiler_params=pltpu.CompilerParams(needs_layout_passes=False),
        out_type=jax.ShapeDtypeStruct((n_tok * _D,), jnp.float32),
        scratch_types=[
            pltpu.VMEM((n_words,), jnp.float32),
            pltpu.VMEM((b_per_w,), jnp.int32),
            pltpu.VMEM((b_per_w * _D,), jnp.float32),
        ],
    )
    def k(table_hbm, idx_hbm, out_hbm, cb_v, idx_v, rows_v):
        wid = lax.axis_index("s") * info.num_cores + lax.axis_index("c")
        base = wid * b_per_w
        pltpu.sync_copy(table_hbm, cb_v)
        pltpu.sync_copy(idx_hbm.at[pl.ds(base, b_per_w)], idx_v)

        def body(g, _):
            i16 = idx_v[pl.ds(g * 16, 16)]
            w = i16 * _D
            for dd in range(_D):
                vals = plsc.load_gather(cb_v, [w + dd])
                rows_v[pl.ds(dd * b_per_w + g * 16, 16)] = vals
            return _

        lax.fori_loop(0, b_per_w // 16, body, None)
        bb = base // _L
        l0 = base - bb * _L
        for dd in range(_D):
            pltpu.sync_copy(
                rows_v.at[pl.ds(dd * b_per_w, b_per_w)],
                out_hbm.at[pl.ds((bb * _D + dd) * _L + l0, b_per_w)])

    return k(table_flat, idx)


def kernel(feats, codebook):
    b, l, d = feats.shape
    flat = feats.reshape(-1, d)
    n_tok = flat.shape[0]
    wsq = jnp.sum(codebook ** 2, axis=1).reshape(1, _V)
    cbt = codebook.T

    idx3, lsum = _dist_argmin(flat, cbt, wsq)
    idx = idx3.reshape(n_tok)

    q = _sc_gather(codebook.reshape(-1), idx)
    qt = q.reshape(b, d, l)
    xt = feats.transpose(0, 2, 1)
    qst_t = xt + lax.stop_gradient(qt - xt)
    quant_st = qst_t.transpose(0, 2, 1)
    loss = lsum[0, 0] / jnp.float32(n_tok * d)
    return quant_st, idx3.reshape(b, l), loss

# --- scband reference (transcript-rebuilt; emitter-appended) ---
"""Pipeline reference for scband-wavelet-tokenizer-79353815761238 (READ-ONLY COPY).

The authoritative reference and input builder live on the scoring server;
editing this copy changes nothing except your own understanding.
"""

import jax, jax.numpy as jnp
import numpy as np

VOCAB_SIZE = 4096
CODE_DIM = 4


def setup_inputs(seed: int = 0) -> dict:
    key = jax.random.key(seed)
    k1, k2 = jax.random.split(key)
    feats = jax.random.normal(k1, (4, 16384, CODE_DIM), dtype=jnp.float32)
    # codebook initialized uniform(-1/vocab, 1/vocab) like nn.init.uniform_
    codebook = jax.random.uniform(
        k2, (VOCAB_SIZE, CODE_DIM), dtype=jnp.float32,
        minval=-1.0 / VOCAB_SIZE, maxval=1.0 / VOCAB_SIZE)
    return {"feats": feats, "codebook": codebook}


def reference(feats, codebook):
    # EMAVQ.forward (eval mode: no EMA buffer updates)
    B, L, D = feats.shape
    flat = feats.reshape(-1, D)
    # squared L2 distance: ||x||^2 - 2 x.W^T + ||w||^2
    dist = (jnp.sum(flat ** 2, axis=1, keepdims=True)
            - 2.0 * flat @ codebook.T
            + jnp.sum(codebook ** 2, axis=1))
    idx = jnp.argmin(dist, axis=1)
    quant = jnp.take(codebook, idx, axis=0).reshape(B, L, D)
    loss = jnp.mean((jax.lax.stop_gradient(quant) - feats) ** 2)
    # straight-through estimator
    quant_st = feats + jax.lax.stop_gradient(quant - feats)
    return quant_st, idx.reshape(B, L), loss

if __name__ == "__main__":
    import jax
    _d = setup_inputs()
    print(jax.jit(kernel)(*tuple(_d.values())))

</pallas_src>

<mosaic_0001>
#map = affine_map<(d0, d1) -> (0)>
module attributes {stable_mosaic.version = 14 : i64} {
  func.func @k(%arg0: i32, %arg1: i32, %arg2: memref<16384xf32, #tpu.memory_space<hbm>>, %arg3: memref<65536xi32, #tpu.memory_space<hbm>>, %arg4: memref<262144xf32, #tpu.memory_space<hbm>>, %arg5: memref<16384xf32, #tpu.memory_space<vmem>>, %arg6: memref<2048xi32, #tpu.memory_space<vmem>>, %arg7: memref<8192xf32, #tpu.memory_space<vmem>>) attributes {dimension_semantics = [#tpu.dimension_semantics<core_parallel>, #tpu.dimension_semantics<subcore_parallel>], iteration_bounds = array<i64: 2, 16>, scalar_prefetch = 0 : i64, scratch_operands = 3 : i64, tpu.core_type = #tpu.core_type<sc_vector_subcore>, window_params = [{transform_indices = #map}, {transform_indices = #map}, {transform_indices = #map}]} {
    %mul3A = arith.constant 2 : i32
    %mul3A_0 = arith.muli %arg1, %mul3A : i32
    %add3A = arith.addi %mul3A_0, %arg0 : i32
    %mul3A_1 = arith.constant 2048 : i32
    %mul3A_2 = arith.muli %add3A, %mul3A_1 : i32
    "tpu.region"() ({
      %run_scoped3A = tpu.sem_alloc : memref<!tpu.dma_semaphore, #tpu.memory_space<semaphore_mem>>
      tpu.enqueue_dma source(%arg2 : memref<16384xf32, #tpu.memory_space<hbm>>) target(%arg5 : memref<16384xf32, #tpu.memory_space<vmem>>) target_semaphore(%run_scoped3A : memref<!tpu.dma_semaphore, #tpu.memory_space<semaphore_mem>>)
      tpu.wait_dma2 semaphore(%run_scoped3A : memref<!tpu.dma_semaphore, #tpu.memory_space<semaphore_mem>>) src(%arg2 : memref<16384xf32, #tpu.memory_space<hbm>>) dst(%arg5 : memref<16384xf32, #tpu.memory_space<vmem>>)
      tpu.yield
    }) : () -> ()
    "tpu.region"() ({
      %run_scoped3A = tpu.sem_alloc : memref<!tpu.dma_semaphore, #tpu.memory_space<semaphore_mem>>
      %dma_start3A = tpu.memref_slice %arg3[%mul3A_2] : memref<65536xi32, #tpu.memory_space<hbm>> -> memref<2048xi32, #tpu.memory_space<hbm>>
      %dma_start3A_54 = tpu.memref_slice %arg3[%mul3A_2] : memref<65536xi32, #tpu.memory_space<hbm>> -> memref<2048xi32, #tpu.memory_space<hbm>>
      tpu.enqueue_dma source(%dma_start3A_54 : memref<2048xi32, #tpu.memory_space<hbm>>) target(%arg6 : memref<2048xi32, #tpu.memory_space<vmem>>) target_semaphore(%run_scoped3A : memref<!tpu.dma_semaphore, #tpu.memory_space<semaphore_mem>>)
      %dma_wait3A = tpu.memref_slice %arg3[%mul3A_2] : memref<65536xi32, #tpu.memory_space<hbm>> -> memref<2048xi32, #tpu.memory_space<hbm>>
      %dma_wait3A_55 = tpu.memref_slice %arg3[%mul3A_2] : memref<65536xi32, #tpu.memory_space<hbm>> -> memref<2048xi32, #tpu.memory_space<hbm>>
      tpu.wait_dma2 semaphore(%run_scoped3A : memref<!tpu.dma_semaphore, #tpu.memory_space<semaphore_mem>>) src(%dma_wait3A_55 : memref<2048xi32, #tpu.memory_space<hbm>>) dst(%arg6 : memref<2048xi32, #tpu.memory_space<vmem>>)
      tpu.yield
    }) : () -> ()
    %scan3A = arith.constant 0 : i32
    %scan3A_3 = arith.constant 128 : i32
    %scan3A_4 = arith.addi %scan3A, %scan3A_3 : i32
    %scan3A_5 = arith.constant 1 : i32
    scf.for %scan3A_54 = %scan3A to %scan3A_4 step %scan3A_5  : i32 {
      %mul3A_55 = arith.constant 16 : i32
      %mul3A_56 = arith.muli %scan3A_54, %mul3A_55 : i32
      %get3A = arith.index_cast %mul3A_56 : i32 to index
      %get3A_57 = tpu.vector_load %arg6[%get3A] {strides = array<i32>} : memref<2048xi32, #tpu.memory_space<vmem>>, vector<16xi32>,
      %mul3A_58 = arith.constant 4 : i32
      %mul3A_59 = vector.broadcast %mul3A_58 : i32 to vector<16xi32>
      %mul3A_60 = arith.muli %get3A_57, %mul3A_59 : vector<16xi32>
      %add3A_61 = arith.constant 0 : i32
      %add3A_62 = vector.broadcast %add3A_61 : i32 to vector<16xi32>
      %add3A_63 = arith.addi %mul3A_60, %add3A_62 : vector<16xi32>
      %gather3A = tpu.vector_load_idx %arg5[%add3A_63] : memref<16384xf32, #tpu.memory_space<vmem>>[vector<16xi32>], vector<16xf32>,
      %mul3A_64 = arith.constant 16 : i32
      %mul3A_65 = arith.muli %scan3A_54, %mul3A_64 : i32
      %add3A_66 = arith.constant 0 : i32
      %add3A_67 = arith.addi %add3A_66, %mul3A_65 : i32
      %swap3A = arith.index_cast %add3A_67 : i32 to index
      %swap3A_68 = tpu.vector_load %arg7[%swap3A] {strides = array<i32>} : memref<8192xf32, #tpu.memory_space<vmem>>, vector<16xf32>,
      tpu.vector_store %arg7[%swap3A], %gather3A {strides = array<i32>} : memref<8192xf32, #tpu.memory_space<vmem>>, vector<16xf32>,
      %add3A_69 = arith.constant 1 : i32
      %add3A_70 = vector.broadcast %add3A_69 : i32 to vector<16xi32>
      %add3A_71 = arith.addi %mul3A_60, %add3A_70 : vector<16xi32>
      %gather3A_72 = tpu.vector_load_idx %arg5[%add3A_71] : memref<16384xf32, #tpu.memory_space<vmem>>[vector<16xi32>], vector<16xf32>,
      %mul3A_73 = arith.constant 16 : i32
      %mul3A_74 = arith.muli %scan3A_54, %mul3A_73 : i32
      %add3A_75 = arith.constant 2048 : i32
      %add3A_76 = arith.addi %add3A_75, %mul3A_74 : i32
      %swap3A_77 = arith.index_cast %add3A_76 : i32 to index
      %swap3A_78 = tpu.vector_load %arg7[%swap3A_77] {strides = array<i32>} : memref<8192xf32, #tpu.memory_space<vmem>>, vector<16xf32>,
      tpu.vector_store %arg7[%swap3A_77], %gather3A_72 {strides = array<i32>} : memref<8192xf32, #tpu.memory_space<vmem>>, vector<16xf32>,
      %add3A_79 = arith.constant 2 : i32
      %add3A_80 = vector.broadcast %add3A_79 : i32 to vector<16xi32>
      %add3A_81 = arith.addi %mul3A_60, %add3A_80 : vector<16xi32>
      %gather3A_82 = tpu.vector_load_idx %arg5[%add3A_81] : memref<16384xf32, #tpu.memory_space<vmem>>[vector<16xi32>], vector<16xf32>,
      %mul3A_83 = arith.constant 16 : i32
      %mul3A_84 = arith.muli %scan3A_54, %mul3A_83 : i32
      %add3A_85 = arith.constant 4096 : i32
      %add3A_86 = arith.addi %add3A_85, %mul3A_84 : i32
      %swap3A_87 = arith.index_cast %add3A_86 : i32 to index
      %swap3A_88 = tpu.vector_load %arg7[%swap3A_87] {strides = array<i32>} : memref<8192xf32, #tpu.memory_space<vmem>>, vector<16xf32>,
      tpu.vector_store %arg7[%swap3A_87], %gather3A_82 {strides = array<i32>} : memref<8192xf32, #tpu.memory_space<vmem>>, vector<16xf32>,
      %add3A_89 = arith.constant 3 : i32
      %add3A_90 = vector.broadcast %add3A_89 : i32 to vector<16xi32>
      %add3A_91 = arith.addi %mul3A_60, %add3A_90 : vector<16xi32>
      %gather3A_92 = tpu.vector_load_idx %arg5[%add3A_91] : memref<16384xf32, #tpu.memory_space<vmem>>[vector<16xi32>], vector<16xf32>,
      %mul3A_93 = arith.constant 16 : i32
      %mul3A_94 = arith.muli %scan3A_54, %mul3A_93 : i32
      %add3A_95 = arith.constant 6144 : i32
      %add3A_96 = arith.addi %add3A_95, %mul3A_94 : i32
      %swap3A_97 = arith.index_cast %add3A_96 : i32 to index
      %swap3A_98 = tpu.vector_load %arg7[%swap3A_97] {strides = array<i32>} : memref<8192xf32, #tpu.memory_space<vmem>>, vector<16xf32>,
      tpu.vector_store %arg7[%swap3A_97], %gather3A_92 {strides = array<i32>} : memref<8192xf32, #tpu.memory_space<vmem>>, vector<16xf32>,
    }
    %scan3A_6 = arith.constant 128 : i32
    %jit3A = arith.constant 16384 : i32
    %div3A = arith.divsi %mul3A_2, %jit3A : i32
    %sign3A = arith.constant 0 : i32
    %sign3A_7 = arith.cmpi sgt, %mul3A_2, %sign3A : i32
    %sign3A_8 = arith.extui %sign3A_7 : i1 to i32
    %sign3A_9 = arith.constant 0 : i32
    %sign3A_10 = arith.cmpi slt, %mul3A_2, %sign3A_9 : i32
    %sign3A_11 = arith.extui %sign3A_10 : i1 to i32
    %sign3A_12 = arith.subi %sign3A_8, %sign3A_11 : i32
    %sign3A_13 = arith.constant 0 : i32
    %sign3A_14 = arith.cmpi sgt, %jit3A, %sign3A_13 : i32
    %sign3A_15 = arith.extui %sign3A_14 : i1 to i32
    %sign3A_16 = arith.constant 0 : i32
    %sign3A_17 = arith.cmpi slt, %jit3A, %sign3A_16 : i32
    %sign3A_18 = arith.extui %sign3A_17 : i1 to i32
    %sign3A_19 = arith.subi %sign3A_15, %sign3A_18 : i32
    %ne3A = arith.cmpi ne, %sign3A_12, %sign3A_19 : i32
    %rem3A = arith.remsi %mul3A_2, %jit3A : i32
    %ne3A_20 = arith.constant 0 : i32
    %ne3A_21 = arith.cmpi ne, %rem3A, %ne3A_20 : i32
    %and3A = arith.andi %ne3A, %ne3A_21 : i1
    %sub3A = arith.constant 1 : i32
    %sub3A_22 = arith.subi %div3A, %sub3A : i32
    %select_n3A = arith.select %and3A, %sub3A_22, %div3A : i32
    %mul3A_23 = arith.constant 16384 : i32
    %mul3A_24 = arith.muli %select_n3A, %mul3A_23 : i32
    %sub3A_25 = arith.subi %mul3A_2, %mul3A_24 : i32
    %mul3A_26 = arith.constant 4 : i32
    %mul3A_27 = arith.muli %select_n3A, %mul3A_26 : i32
    %add3A_28 = arith.constant 0 : i32
    %add3A_29 = arith.addi %mul3A_27, %add3A_28 : i32
    %mul3A_30 = arith.constant 16384 : i32
    %mul3A_31 = arith.muli %add3A_29, %mul3A_30 : i32
    %add3A_32 = arith.addi %mul3A_31, %sub3A_25 : i32
    "tpu.region"() ({
      %run_scoped3A = tpu.sem_alloc : memref<!tpu.dma_semaphore, #tpu.memory_space<semaphore_mem>>
      %dma_start3A = arith.constant 0 : i32
      %dma_start3A_54 = tpu.memref_slice %arg7[%dma_start3A] : memref<8192xf32, #tpu.memory_space<vmem>> -> memref<2048xf32, #tpu.memory_space<vmem>>
      %dma_start3A_55 = tpu.memref_slice %arg4[%add3A_32] : memref<262144xf32, #tpu.memory_space<hbm>> -> memref<2048xf32, #tpu.memory_space<hbm>>
      %dma_start3A_56 = tpu.memref_slice %arg4[%add3A_32] : memref<262144xf32, #tpu.memory_space<hbm>> -> memref<2048xf32, #tpu.memory_space<hbm>>
      %dma_start3A_57 = arith.constant 0 : i32
      %dma_start3A_58 = tpu.memref_slice %arg7[%dma_start3A_57] : memref<8192xf32, #tpu.memory_space<vmem>> -> memref<2048xf32, #tpu.memory_space<vmem>>
      tpu.enqueue_dma source(%dma_start3A_58 : memref<2048xf32, #tpu.memory_space<vmem>>) target(%dma_start3A_56 : memref<2048xf32, #tpu.memory_space<hbm>>) target_semaphore(%run_scoped3A : memref<!tpu.dma_semaphore, #tpu.memory_space<semaphore_mem>>)
      %dma_wait3A = arith.constant 0 : i32
      %dma_wait3A_59 = tpu.memref_slice %arg7[%dma_wait3A] : memref<8192xf32, #tpu.memory_space<vmem>> -> memref<2048xf32, #tpu.memory_space<vmem>>
      %dma_wait3A_60 = tpu.memref_slice %arg4[%add3A_32] : memref<262144xf32, #tpu.memory_space<hbm>> -> memref<2048xf32, #tpu.memory_space<hbm>>
      %dma_wait3A_61 = tpu.memref_slice %arg4[%add3A_32] : memref<262144xf32, #tpu.memory_space<hbm>> -> memref<2048xf32, #tpu.memory_space<hbm>>
      %dma_wait3A_62 = arith.constant 0 : i32
      %dma_wait3A_63 = tpu.memref_slice %arg7[%dma_wait3A_62] : memref<8192xf32, #tpu.memory_space<vmem>> -> memref<2048xf32, #tpu.memory_space<vmem>>
      tpu.wait_dma2 semaphore(%run_scoped3A : memref<!tpu.dma_semaphore, #tpu.memory_space<semaphore_mem>>) src(%dma_wait3A_63 : memref<2048xf32, #tpu.memory_space<vmem>>) dst(%dma_wait3A_61 : memref<2048xf32, #tpu.memory_space<hbm>>)
      tpu.yield
    }) : () -> ()
    %mul3A_33 = arith.constant 4 : i32
    %mul3A_34 = arith.muli %select_n3A, %mul3A_33 : i32
    %add3A_35 = arith.constant 1 : i32
    %add3A_36 = arith.addi %mul3A_34, %add3A_35 : i32
    %mul3A_37 = arith.constant 16384 : i32
    %mul3A_38 = arith.muli %add3A_36, %mul3A_37 : i32
    %add3A_39 = arith.addi %mul3A_38, %sub3A_25 : i32
    "tpu.region"() ({
      %run_scoped3A = tpu.sem_alloc : memref<!tpu.dma_semaphore, #tpu.memory_space<semaphore_mem>>
      %dma_start3A = arith.constant 2048 : i32
      %dma_start3A_54 = tpu.memref_slice %arg7[%dma_start3A] : memref<8192xf32, #tpu.memory_space<vmem>> -> memref<2048xf32, #tpu.memory_space<vmem>>
      %dma_start3A_55 = tpu.memref_slice %arg4[%add3A_39] : memref<262144xf32, #tpu.memory_space<hbm>> -> memref<2048xf32, #tpu.memory_space<hbm>>
      %dma_start3A_56 = tpu.memref_slice %arg4[%add3A_39] : memref<262144xf32, #tpu.memory_space<hbm>> -> memref<2048xf32, #tpu.memory_space<hbm>>
      %dma_start3A_57 = arith.constant 2048 : i32
      %dma_start3A_58 = tpu.memref_slice %arg7[%dma_start3A_57] : memref<8192xf32, #tpu.memory_space<vmem>> -> memref<2048xf32, #tpu.memory_space<vmem>>
      tpu.enqueue_dma source(%dma_start3A_58 : memref<2048xf32, #tpu.memory_space<vmem>>) target(%dma_start3A_56 : memref<2048xf32, #tpu.memory_space<hbm>>) target_semaphore(%run_scoped3A : memref<!tpu.dma_semaphore, #tpu.memory_space<semaphore_mem>>)
      %dma_wait3A = arith.constant 2048 : i32
      %dma_wait3A_59 = tpu.memref_slice %arg7[%dma_wait3A] : memref<8192xf32, #tpu.memory_space<vmem>> -> memref<2048xf32, #tpu.memory_space<vmem>>
      %dma_wait3A_60 = tpu.memref_slice %arg4[%add3A_39] : memref<262144xf32, #tpu.memory_space<hbm>> -> memref<2048xf32, #tpu.memory_space<hbm>>
      %dma_wait3A_61 = tpu.memref_slice %arg4[%add3A_39] : memref<262144xf32, #tpu.memory_space<hbm>> -> memref<2048xf32, #tpu.memory_space<hbm>>
      %dma_wait3A_62 = arith.constant 2048 : i32
      %dma_wait3A_63 = tpu.memref_slice %arg7[%dma_wait3A_62] : memref<8192xf32, #tpu.memory_space<vmem>> -> memref<2048xf32, #tpu.memory_space<vmem>>
      tpu.wait_dma2 semaphore(%run_scoped3A : memref<!tpu.dma_semaphore, #tpu.memory_space<semaphore_mem>>) src(%dma_wait3A_63 : memref<2048xf32, #tpu.memory_space<vmem>>) dst(%dma_wait3A_61 : memref<2048xf32, #tpu.memory_space<hbm>>)
      tpu.yield
    }) : () -> ()
    %mul3A_40 = arith.constant 4 : i32
    %mul3A_41 = arith.muli %select_n3A, %mul3A_40 : i32
    %add3A_42 = arith.constant 2 : i32
    %add3A_43 = arith.addi %mul3A_41, %add3A_42 : i32
    %mul3A_44 = arith.constant 16384 : i32
    %mul3A_45 = arith.muli %add3A_43, %mul3A_44 : i32
    %add3A_46 = arith.addi %mul3A_45, %sub3A_25 : i32
    "tpu.region"() ({
      %run_scoped3A = tpu.sem_alloc : memref<!tpu.dma_semaphore, #tpu.memory_space<semaphore_mem>>
      %dma_start3A = arith.constant 4096 : i32
      %dma_start3A_54 = tpu.memref_slice %arg7[%dma_start3A] : memref<8192xf32, #tpu.memory_space<vmem>> -> memref<2048xf32, #tpu.memory_space<vmem>>
      %dma_start3A_55 = tpu.memref_slice %arg4[%add3A_46] : memref<262144xf32, #tpu.memory_space<hbm>> -> memref<2048xf32, #tpu.memory_space<hbm>>
      %dma_start3A_56 = tpu.memref_slice %arg4[%add3A_46] : memref<262144xf32, #tpu.memory_space<hbm>> -> memref<2048xf32, #tpu.memory_space<hbm>>
      %dma_start3A_57 = arith.constant 4096 : i32
      %dma_start3A_58 = tpu.memref_slice %arg7[%dma_start3A_57] : memref<8192xf32, #tpu.memory_space<vmem>> -> memref<2048xf32, #tpu.memory_space<vmem>>
      tpu.enqueue_dma source(%dma_start3A_58 : memref<2048xf32, #tpu.memory_space<vmem>>) target(%dma_start3A_56 : memref<2048xf32, #tpu.memory_space<hbm>>) target_semaphore(%run_scoped3A : memref<!tpu.dma_semaphore, #tpu.memory_space<semaphore_mem>>)
      %dma_wait3A = arith.constant 4096 : i32
      %dma_wait3A_59 = tpu.memref_slice %arg7[%dma_wait3A] : memref<8192xf32, #tpu.memory_space<vmem>> -> memref<2048xf32, #tpu.memory_space<vmem>>
      %dma_wait3A_60 = tpu.memref_slice %arg4[%add3A_46] : memref<262144xf32, #tpu.memory_space<hbm>> -> memref<2048xf32, #tpu.memory_space<hbm>>
      %dma_wait3A_61 = tpu.memref_slice %arg4[%add3A_46] : memref<262144xf32, #tpu.memory_space<hbm>> -> memref<2048xf32, #tpu.memory_space<hbm>>
      %dma_wait3A_62 = arith.constant 4096 : i32
      %dma_wait3A_63 = tpu.memref_slice %arg7[%dma_wait3A_62] : memref<8192xf32, #tpu.memory_space<vmem>> -> memref<2048xf32, #tpu.memory_space<vmem>>
      tpu.wait_dma2 semaphore(%run_scoped3A : memref<!tpu.dma_semaphore, #tpu.memory_space<semaphore_mem>>) src(%dma_wait3A_63 : memref<2048xf32, #tpu.memory_space<vmem>>) dst(%dma_wait3A_61 : memref<2048xf32, #tpu.memory_space<hbm>>)
      tpu.yield
    }) : () -> ()
    %mul3A_47 = arith.constant 4 : i32
    %mul3A_48 = arith.muli %select_n3A, %mul3A_47 : i32
    %add3A_49 = arith.constant 3 : i32
    %add3A_50 = arith.addi %mul3A_48, %add3A_49 : i32
    %mul3A_51 = arith.constant 16384 : i32
    %mul3A_52 = arith.muli %add3A_50, %mul3A_51 : i32
    %add3A_53 = arith.addi %mul3A_52, %sub3A_25 : i32
    "tpu.region"() ({
      %run_scoped3A = tpu.sem_alloc : memref<!tpu.dma_semaphore, #tpu.memory_space<semaphore_mem>>
      %dma_start3A = arith.constant 6144 : i32
      %dma_start3A_54 = tpu.memref_slice %arg7[%dma_start3A] : memref<8192xf32, #tpu.memory_space<vmem>> -> memref<2048xf32, #tpu.memory_space<vmem>>
      %dma_start3A_55 = tpu.memref_slice %arg4[%add3A_53] : memref<262144xf32, #tpu.memory_space<hbm>> -> memref<2048xf32, #tpu.memory_space<hbm>>
      %dma_start3A_56 = tpu.memref_slice %arg4[%add3A_53] : memref<262144xf32, #tpu.memory_space<hbm>> -> memref<2048xf32, #tpu.memory_space<hbm>>
      %dma_start3A_57 = arith.constant 6144 : i32
      %dma_start3A_58 = tpu.memref_slice %arg7[%dma_start3A_57] : memref<8192xf32, #tpu.memory_space<vmem>> -> memref<2048xf32, #tpu.memory_space<vmem>>
      tpu.enqueue_dma source(%dma_start3A_58 : memref<2048xf32, #tpu.memory_space<vmem>>) target(%dma_start3A_56 : memref<2048xf32, #tpu.memory_space<hbm>>) target_semaphore(%run_scoped3A : memref<!tpu.dma_semaphore, #tpu.memory_space<semaphore_mem>>)
      %dma_wait3A = arith.constant 6144 : i32
      %dma_wait3A_59 = tpu.memref_slice %arg7[%dma_wait3A] : memref<8192xf32, #tpu.memory_space<vmem>> -> memref<2048xf32, #tpu.memory_space<vmem>>
      %dma_wait3A_60 = tpu.memref_slice %arg4[%add3A_53] : memref<262144xf32, #tpu.memory_space<hbm>> -> memref<2048xf32, #tpu.memory_space<hbm>>
      %dma_wait3A_61 = tpu.memref_slice %arg4[%add3A_53] : memref<262144xf32, #tpu.memory_space<hbm>> -> memref<2048xf32, #tpu.memory_space<hbm>>
      %dma_wait3A_62 = arith.constant 6144 : i32
      %dma_wait3A_63 = tpu.memref_slice %arg7[%dma_wait3A_62] : memref<8192xf32, #tpu.memory_space<vmem>> -> memref<2048xf32, #tpu.memory_space<vmem>>
      tpu.wait_dma2 semaphore(%run_scoped3A : memref<!tpu.dma_semaphore, #tpu.memory_space<semaphore_mem>>) src(%dma_wait3A_63 : memref<2048xf32, #tpu.memory_space<vmem>>) dst(%dma_wait3A_61 : memref<2048xf32, #tpu.memory_space<hbm>>)
      tpu.yield
    }) : () -> ()
    return
  }
}

module attributes {stable_mosaic.version = 14 : i64} {
  func.func @_dist_argmin_body(%arg0: i32, %arg1: memref<1024x4xf32, #tpu.memory_space<vmem>>, %arg2: memref<4x4096xf32, #tpu.memory_space<vmem>>, %arg3: memref<1x4096xf32, #tpu.memory_space<vmem>>, %arg4: memref<1x1x1024xi32, #tpu.memory_space<vmem>>, %arg5: memref<1x1xf32, #tpu.memory_space<vmem>>) attributes {dimension_semantics = [#tpu.dimension_semantics<arbitrary>], iteration_bounds = array<i64: 64>, scalar_prefetch = 0 : i64, scratch_operands = 0 : i64, tpu.core_type = #tpu.core_type<tc>, window_params = [{transform_indices = @transform_0, window_bounds = array<i64: 1024, 4>}, {pipeline_mode = #tpu.pipeline_mode<synchronous>, transform_indices = @transform_1, window_bounds = array<i64: 4, 4096>}, {pipeline_mode = #tpu.pipeline_mode<synchronous>, transform_indices = @transform_2, window_bounds = array<i64: 1, 4096>}, {transform_indices = @transform_3, window_bounds = array<i64: 1, 1, 1024>}, {pipeline_mode = #tpu.pipeline_mode<synchronous>, transform_indices = @transform_4, window_bounds = array<i64: 1, 1>}]} {
    %get3A = arith.constant 0 : index
    %get3A_0 = arith.constant 0 : index
    %get3A_1 = vector.load %arg1[%get3A, %get3A_0] : memref<1024x4xf32, #tpu.memory_space<vmem>>, vector<1024x4xf32>
    %mul3A = arith.constant 2.000000e+00 : f32
    %mul3A_2 = vector.broadcast %mul3A : f32 to vector<1024x4xf32>
    %mul3A_3 = arith.mulf %mul3A_2, %get3A_1 : vector<1024x4xf32>
    %convert_element_type3A = arith.truncf %mul3A_3 : vector<1024x4xf32> to vector<1024x4xbf16>
    %slice3A = vector.extract_strided_slice %get3A_1 {offsets = [0, 0], sizes = [1024, 1], strides = [1, 1]} : vector<1024x4xf32> to vector<1024x1xf32>
    %slice3A_4 = vector.extract_strided_slice %get3A_1 {offsets = [0, 0], sizes = [1024, 1], strides = [1, 1]} : vector<1024x4xf32> to vector<1024x1xf32>
    %mul3A_5 = arith.mulf %slice3A, %slice3A_4 : vector<1024x1xf32>
    %slice3A_6 = vector.extract_strided_slice %get3A_1 {offsets = [0, 1], sizes = [1024, 1], strides = [1, 1]} : vector<1024x4xf32> to vector<1024x1xf32>
    %slice3A_7 = vector.extract_strided_slice %get3A_1 {offsets = [0, 1], sizes = [1024, 1], strides = [1, 1]} : vector<1024x4xf32> to vector<1024x1xf32>
    %mul3A_8 = arith.mulf %slice3A_6, %slice3A_7 : vector<1024x1xf32>
    %add3A = arith.addf %mul3A_5, %mul3A_8 : vector<1024x1xf32>
    %slice3A_9 = vector.extract_strided_slice %get3A_1 {offsets = [0, 2], sizes = [1024, 1], strides = [1, 1]} : vector<1024x4xf32> to vector<1024x1xf32>
    %slice3A_10 = vector.extract_strided_slice %get3A_1 {offsets = [0, 2], sizes = [1024, 1], strides = [1, 1]} : vector<1024x4xf32> to vector<1024x1xf32>
    %mul3A_11 = arith.mulf %slice3A_9, %slice3A_10 : vector<1024x1xf32>
    %slice3A_12 = vector.extract_strided_slice %get3A_1 {offsets = [0, 3], sizes = [1024, 1], strides = [1, 1]} : vector<1024x4xf32> to vector<1024x1xf32>
    %slice3A_13 = vector.extract_strided_slice %get3A_1 {offsets = [0, 3], sizes = [1024, 1], strides = [1, 1]} : vector<1024x4xf32> to vector<1024x1xf32>
    %mul3A_14 = arith.mulf %slice3A_12, %slice3A_13 : vector<1024x1xf32>
    %add3A_15 = arith.addf %mul3A_11, %mul3A_14 : vector<1024x1xf32>
    %add3A_16 = arith.addf %add3A, %add3A_15 : vector<1024x1xf32>
    %get3A_17 = arith.constant 0 : index
    %get3A_18 = arith.constant 0 : index
    %get3A_19 = vector.load %arg2[%get3A_17, %get3A_18] : memref<4x4096xf32, #tpu.memory_space<vmem>>, vector<4x4096xf32>
    %dot_general3A = arith.constant dense<0.000000e+00> : vector<1024x4096xf32>
    %dot_general3A_20 = tpu.matmul %convert_element_type3A, %get3A_19, %dot_general3A {dimension_numbers = #tpu.dot_dimension_numbers<[1], [0], [0], [1], [0, 0, 1, 1], [], []>, transpose_lhs_hint = false} : vector<1024x4xbf16>, vector<4x4096xf32>, vector<1024x4096xf32> -> vector<1024x4096xf32>
    %get3A_21 = arith.constant 0 : index
    %get3A_22 = arith.constant 0 : index
    %get3A_23 = vector.load %arg3[%get3A_21, %get3A_22] : memref<1x4096xf32, #tpu.memory_space<vmem>>, vector<1x4096xf32>
    %broadcast_in_dim3A = arith.constant 0.000000e+00 : f32
    %broadcast_in_dim3A_24 = vector.broadcast %broadcast_in_dim3A : f32 to vector<1x1xf32>
    %iota3A = tpu.iota {dimensions = array<i32: 1>} : vector<256x128xi32>
    %convert_element_type3A_25 = arith.sitofp %iota3A : vector<256x128xi32> to vector<256x128xf32>
    %slice3A_26 = vector.extract_strided_slice %add3A_16 {offsets = [0, 0], sizes = [256, 1], strides = [1, 1]} : vector<1024x1xf32> to vector<256x1xf32>
    %slice3A_27 = vector.extract_strided_slice %dot_general3A_20 {offsets = [0, 0], sizes = [256, 128], strides = [1, 1]} : vector<1024x4096xf32> to vector<256x128xf32>
    %sub3A = vector.broadcast %slice3A_26 : vector<256x1xf32> to vector<256x128xf32>
    %sub3A_28 = arith.subf %sub3A, %slice3A_27 : vector<256x128xf32>
    %slice3A_29 = vector.extract_strided_slice %get3A_23 {offsets = [0, 0], sizes = [1, 128], strides = [1, 1]} : vector<1x4096xf32> to vector<1x128xf32>
    %add3A_30 = vector.broadcast %slice3A_29 : vector<1x128xf32> to vector<256x128xf32>
    %add3A_31 = arith.addf %sub3A_28, %add3A_30 : vector<256x128xf32>
    %broadcast_in_dim3A_32 = arith.constant 0.000000e+00 : f32
    %broadcast_in_dim3A_33 = vector.broadcast %broadcast_in_dim3A_32 : f32 to vector<256x128xf32>
    %slice3A_34 = vector.extract_strided_slice %dot_general3A_20 {offsets = [0, 128], sizes = [256, 128], strides = [1, 1]} : vector<1024x4096xf32> to vector<256x128xf32>
    %sub3A_35 = vector.broadcast %slice3A_26 : vector<256x1xf32> to vector<256x128xf32>
    %sub3A_36 = arith.subf %sub3A_35, %slice3A_34 : vector<256x128xf32>
    %slice3A_37 = vector.extract_strided_slice %get3A_23 {offsets = [0, 128], sizes = [1, 128], strides = [1, 1]} : vector<1x4096xf32> to vector<1x128xf32>
    %add3A_38 = vector.broadcast %slice3A_37 : vector<1x128xf32> to vector<256x128xf32>
    %add3A_39 = arith.addf %sub3A_36, %add3A_38 : vector<256x128xf32>
    %lt3A = arith.cmpf olt, %add3A_39, %add3A_31 : vector<256x128xf32>
    %select_n3A = arith.select %lt3A, %add3A_39, %add3A_31 : vector<256x128xi1>, vector<256x128xf32>
    %jit3A = arith.constant 1.000000e+00 : f32
    %broadcast_in_dim3A_40 = vector.broadcast %jit3A : f32 to vector<256x128xf32>
    %select_n3A_41 = arith.select %lt3A, %broadcast_in_dim3A_40, %broadcast_in_dim3A_33 : vector<256x128xi1>, vector<256x128xf32>
    %slice3A_42 = vector.extract_strided_slice %dot_general3A_20 {offsets = [0, 256], sizes = [256, 128], strides = [1, 1]} : vector<1024x4096xf32> to vector<256x128xf32>
    %sub3A_43 = vector.broadcast %slice3A_26 : vector<256x1xf32> to vector<256x128xf32>
    %sub3A_44 = arith.subf %sub3A_43, %slice3A_42 : vector<256x128xf32>
    %slice3A_45 = vector.extract_strided_slice %get3A_23 {offsets = [0, 256], sizes = [1, 128], strides = [1, 1]} : vector<1x4096xf32> to vector<1x128xf32>
    %add3A_46 = vector.broadcast %slice3A_45 : vector<1x128xf32> to vector<256x128xf32>
    %add3A_47 = arith.addf %sub3A_44, %add3A_46 : vector<256x128xf32>
    %lt3A_48 = arith.cmpf olt, %add3A_47, %select_n3A : vector<256x128xf32>
    %select_n3A_49 = arith.select %lt3A_48, %add3A_47, %select_n3A : vector<256x128xi1>, vector<256x128xf32>
    %jit3A_50 = arith.constant 2.000000e+00 : f32
    %broadcast_in_dim3A_51 = vector.broadcast %jit3A_50 : f32 to vector<256x128xf32>
    %select_n3A_52 = arith.select %lt3A_48, %broadcast_in_dim3A_51, %select_n3A_41 : vector<256x128xi1>, vector<256x128xf32>
    %slice3A_53 = vector.extract_strided_slice %dot_general3A_20 {offsets = [0, 384], sizes = [256, 128], strides = [1, 1]} : vector<1024x4096xf32> to vector<256x128xf32>
    %sub3A_54 = vector.broadcast %slice3A_26 : vector<256x1xf32> to vector<256x128xf32>
    %sub3A_55 = arith.subf %sub3A_54, %slice3A_53 : vector<256x128xf32>
    %slice3A_56 = vector.extract_strided_slice %get3A_23 {offsets = [0, 384], sizes = [1, 128], strides = [1, 1]} : vector<1x4096xf32> to vector<1x128xf32>
    %add3A_57 = vector.broadcast %slice3A_56 : vector<1x128xf32> to vector<256x128xf32>
    %add3A_58 = arith.addf %sub3A_55, %add3A_57 : vector<256x128xf32>
    %lt3A_59 = arith.cmpf olt, %add3A_58, %select_n3A_49 : vector<256x128xf32>
    %select_n3A_60 = arith.select %lt3A_59, %add3A_58, %select_n3A_49 : vector<256x128xi1>, vector<256x128xf32>
    %jit3A_61 = arith.constant 3.000000e+00 : f32
    %broadcast_in_dim3A_62 = vector.broadcast %jit3A_61 : f32 to vector<256x128xf32>
    %select_n3A_63 = arith.select %lt3A_59, %broadcast_in_dim3A_62, %select_n3A_52 : vector<256x128xi1>, vector<256x128xf32>
    %slice3A_64 = vector.extract_strided_slice %dot_general3A_20 {offsets = [0, 512], sizes = [256, 128], strides = [1, 1]} : vector<1024x4096xf32> to vector<256x128xf32>
    %sub3A_65 = vector.broadcast %slice3A_26 : vector<256x1xf32> to vector<256x128xf32>
    %sub3A_66 = arith.subf %sub3A_65, %slice3A_64 : vector<256x128xf32>
    %slice3A_67 = vector.extract_strided_slice %get3A_23 {offsets = [0, 512], sizes = [1, 128], strides = [1, 1]} : vector<1x4096xf32> to vector<1x128xf32>
    %add3A_68 = vector.broadcast %slice3A_67 : vector<1x128xf32> to vector<256x128xf32>
    %add3A_69 = arith.addf %sub3A_66, %add3A_68 : vector<256x128xf32>
    %lt3A_70 = arith.cmpf olt, %add3A_69, %select_n3A_60 : vector<256x128xf32>
    %select_n3A_71 = arith.select %lt3A_70, %add3A_69, %select_n3A_60 : vector<256x128xi1>, vector<256x128xf32>
    %jit3A_72 = arith.constant 4.000000e+00 : f32
    %broadcast_in_dim3A_73 = vector.broadcast %jit3A_72 : f32 to vector<256x128xf32>
    %select_n3A_74 = arith.select %lt3A_70, %broadcast_in_dim3A_73, %select_n3A_63 : vector<256x128xi1>, vector<256x128xf32>
    %slice3A_75 = vector.extract_strided_slice %dot_general3A_20 {offsets = [0, 640], sizes = [256, 128], strides = [1, 1]} : vector<1024x4096xf32> to vector<256x128xf32>
    %sub3A_76 = vector.broadcast %slice3A_26 : vector<256x1xf32> to vector<256x128xf32>
    %sub3A_77 = arith.subf %sub3A_76, %slice3A_75 : vector<256x128xf32>
    %slice3A_78 = vector.extract_strided_slice %get3A_23 {offsets = [0, 640], sizes = [1, 128], strides = [1, 1]} : vector<1x4096xf32> to vector<1x128xf32>
    %add3A_79 = vector.broadcast %slice3A_78 : vector<1x128xf32> to vector<256x128xf32>
    %add3A_80 = arith.addf %sub3A_77, %add3A_79 : vector<256x128xf32>
    %lt3A_81 = arith.cmpf olt, %add3A_80, %select_n3A_71 : vector<256x128xf32>
    %select_n3A_82 = arith.select %lt3A_81, %add3A_80, %select_n3A_71 : vector<256x128xi1>, vector<256x128xf32>
    %jit3A_83 = arith.constant 5.000000e+00 : f32
    %broadcast_in_dim3A_84 = vector.broadcast %jit3A_83 : f32 to vector<256x128xf32>
    %select_n3A_85 = arith.select %lt3A_81, %broadcast_in_dim3A_84, %select_n3A_74 : vector<256x128xi1>, vector<256x128xf32>
    %slice3A_86 = vector.extract_strided_slice %dot_general3A_20 {offsets = [0, 768], sizes = [256, 128], strides = [1, 1]} : vector<1024x4096xf32> to vector<256x128xf32>
    %sub3A_87 = vector.broadcast %slice3A_26 : vector<256x1xf32> to vector<256x128xf32>
    %sub3A_88 = arith.subf %sub3A_87, %slice3A_86 : vector<256x128xf32>
    %slice3A_89 = vector.extract_strided_slice %get3A_23 {offsets = [0, 768], sizes = [1, 128], strides = [1, 1]} : vector<1x4096xf32> to vector<1x128xf32>
    %add3A_90 = vector.broadcast %slice3A_89 : vector<1x128xf32> to vector<256x128xf32>
    %add3A_91 = arith.addf %sub3A_88, %add3A_90 : vector<256x128xf32>
    %lt3A_92 = arith.cmpf olt, %add3A_91, %select_n3A_82 : vector<256x128xf32>
    %select_n3A_93 = arith.select %lt3A_92, %add3A_91, %select_n3A_82 : vector<256x128xi1>, vector<256x128xf32>
    %jit3A_94 = arith.constant 6.000000e+00 : f32
    %broadcast_in_dim3A_95 = vector.broadcast %jit3A_94 : f32 to vector<256x128xf32>
    %select_n3A_96 = arith.select %lt3A_92, %broadcast_in_dim3A_95, %select_n3A_85 : vector<256x128xi1>, vector<256x128xf32>
    %slice3A_97 = vector.extract_strided_slice %dot_general3A_20 {offsets = [0, 896], sizes = [256, 128], strides = [1, 1]} : vector<1024x4096xf32> to vector<256x128xf32>
    %sub3A_98 = vector.broadcast %slice3A_26 : vector<256x1xf32> to vector<256x128xf32>
    %sub3A_99 = arith.subf %sub3A_98, %slice3A_97 : vector<256x128xf32>
    %slice3A_100 = vector.extract_strided_slice %get3A_23 {offsets = [0, 896], sizes = [1, 128], strides = [1, 1]} : vector<1x4096xf32> to vector<1x128xf32>
    %add3A_101 = vector.broadcast %slice3A_100 : vector<1x128xf32> to vector<256x128xf32>
    %add3A_102 = arith.addf %sub3A_99, %add3A_101 : vector<256x128xf32>
    %lt3A_103 = arith.cmpf olt, %add3A_102, %select_n3A_93 : vector<256x128xf32>
    %select_n3A_104 = arith.select %lt3A_103, %add3A_102, %select_n3A_93 : vector<256x128xi1>, vector<256x128xf32>
    %jit3A_105 = arith.constant 7.000000e+00 : f32
    %broadcast_in_dim3A_106 = vector.broadcast %jit3A_105 : f32 to vector<256x128xf32>
    %select_n3A_107 = arith.select %lt3A_103, %broadcast_in_dim3A_106, %select_n3A_96 : vector<256x128xi1>, vector<256x128xf32>
    %slice3A_108 = vector.extract_strided_slice %dot_general3A_20 {offsets = [0, 1024], sizes = [256, 128], strides = [1, 1]} : vector<1024x4096xf32> to vector<256x128xf32>
    %sub3A_109 = vector.broadcast %slice3A_26 : vector<256x1xf32> to vector<256x128xf32>
    %sub3A_110 = arith.subf %sub3A_109, %slice3A_108 : vector<256x128xf32>
    %slice3A_111 = vector.extract_strided_slice %get3A_23 {offsets = [0, 1024], sizes = [1, 128], strides = [1, 1]} : vector<1x4096xf32> to vector<1x128xf32>
    %add3A_112 = vector.broadcast %slice3A_111 : vector<1x128xf32> to vector<256x128xf32>
    %add3A_113 = arith.addf %sub3A_110, %add3A_112 : vector<256x128xf32>
    %lt3A_114 = arith.cmpf olt, %add3A_113, %select_n3A_104 : vector<256x128xf32>
    %select_n3A_115 = arith.select %lt3A_114, %add3A_113, %select_n3A_104 : vector<256x128xi1>, vector<256x128xf32>
    %jit3A_116 = arith.constant 8.000000e+00 : f32
    %broadcast_in_dim3A_117 = vector.broadcast %jit3A_116 : f32 to vector<256x128xf32>
    %select_n3A_118 = arith.select %lt3A_114, %broadcast_in_dim3A_117, %select_n3A_107 : vector<256x128xi1>, vector<256x128xf32>
    %slice3A_119 = vector.extract_strided_slice %dot_general3A_20 {offsets = [0, 1152], sizes = [256, 128], strides = [1, 1]} : vector<1024x4096xf32> to vector<256x128xf32>
    %sub3A_120 = vector.broadcast %slice3A_26 : vector<256x1xf32> to vector<256x128xf32>
    %sub3A_121 = arith.subf %sub3A_120, %slice3A_119 : vector<256x128xf32>
    %slice3A_122 = vector.extract_strided_slice %get3A_23 {offsets = [0, 1152], sizes = [1, 128], strides = [1, 1]} : vector<1x4096xf32> to vector<1x128xf32>
    %add3A_123 = vector.broadcast %slice3A_122 : vector<1x128xf32> to vector<256x128xf32>
    %add3A_124 = arith.addf %sub3A_121, %add3A_123 : vector<256x128xf32>
    %lt3A_125 = arith.cmpf olt, %add3A_124, %select_n3A_115 : vector<256x128xf32>
    %select_n3A_126 = arith.select %lt3A_125, %add3A_124, %select_n3A_115 : vector<256x128xi1>, vector<256x128xf32>
    %jit3A_127 = arith.constant 9.000000e+00 : f32
    %broadcast_in_dim3A_128 = vector.broadcast %jit3A_127 : f32 to vector<256x128xf32>
    %select_n3A_129 = arith.select %lt3A_125, %broadcast_in_dim3A_128, %select_n3A_118 : vector<256x128xi1>, vector<256x128xf32>
    %slice3A_130 = vector.extract_strided_slice %dot_general3A_20 {offsets = [0, 1280], sizes = [256, 128], strides = [1, 1]} : vector<1024x4096xf32> to vector<256x128xf32>
    %sub3A_131 = vector.broadcast %slice3A_26 : vector<256x1xf32> to vector<256x128xf32>
    %sub3A_132 = arith.subf %sub3A_131, %slice3A_130 : vector<256x128xf32>
    %slice3A_133 = vector.extract_strided_slice %get3A_23 {offsets = [0, 1280], sizes = [1, 128], strides = [1, 1]} : vector<1x4096xf32> to vector<1x128xf32>
    %add3A_134 = vector.broadcast %slice3A_133 : vector<1x128xf32> to vector<256x128xf32>
    %add3A_135 = arith.addf %sub3A_132, %add3A_134 : vector<256x128xf32>
    %lt3A_136 = arith.cmpf olt, %add3A_135, %select_n3A_126 : vector<256x128xf32>
    %select_n3A_137 = arith.select %lt3A_136, %add3A_135, %select_n3A_126 : vector<256x128xi1>, vector<256x128xf32>
    %jit3A_138 = arith.constant 1.000000e+01 : f32
    %broadcast_in_dim3A_139 = vector.broadcast %jit3A_138 : f32 to vector<256x128xf32>
    %select_n3A_140 = arith.select %lt3A_136, %broadcast_in_dim3A_139, %select_n3A_129 : vector<256x128xi1>, vector<256x128xf32>
    %slice3A_141 = vector.extract_strided_slice %dot_general3A_20 {offsets = [0, 1408], sizes = [256, 128], strides = [1, 1]} : vector<1024x4096xf32> to vector<256x128xf32>
    %sub3A_142 = vector.broadcast %slice3A_26 : vector<256x1xf32> to vector<256x128xf32>
    %sub3A_143 = arith.subf %sub3A_142, %slice3A_141 : vector<256x128xf32>
    %slice3A_144 = vector.extract_strided_slice %get3A_23 {offsets = [0, 1408], sizes = [1, 128], strides = [1, 1]} : vector<1x4096xf32> to vector<1x128xf32>
    %add3A_145 = vector.broadcast %slice3A_144 : vector<1x128xf32> to vector<256x128xf32>
    %add3A_146 = arith.addf %sub3A_143, %add3A_145 : vector<256x128xf32>
    %lt3A_147 = arith.cmpf olt, %add3A_146, %select_n3A_137 : vector<256x128xf32>
    %select_n3A_148 = arith.select %lt3A_147, %add3A_146, %select_n3A_137 : vector<256x128xi1>, vector<256x128xf32>
    %jit3A_149 = arith.constant 1.100000e+01 : f32
    %broadcast_in_dim3A_150 = vector.broadcast %jit3A_149 : f32 to vector<256x128xf32>
    %select_n3A_151 = arith.select %lt3A_147, %broadcast_in_dim3A_150, %select_n3A_140 : vector<256x128xi1>, vector<256x128xf32>
    %slice3A_152 = vector.extract_strided_slice %dot_general3A_20 {offsets = [0, 1536], sizes = [256, 128], strides = [1, 1]} : vector<1024x4096xf32> to vector<256x128xf32>
    %sub3A_153 = vector.broadcast %slice3A_26 : vector<256x1xf32> to vector<256x128xf32>
    %sub3A_154 = arith.subf %sub3A_153, %slice3A_152 : vector<256x128xf32>
    %slice3A_155 = vector.extract_strided_slice %get3A_23 {offsets = [0, 1536], sizes = [1, 128], strides = [1, 1]} : vector<1x4096xf32> to vector<1x128xf32>
    %add3A_156 = vector.broadcast %slice3A_155 : vector<1x128xf32> to vector<256x128xf32>
    %add3A_157 = arith.addf %sub3A_154, %add3A_156 : vector<256x128xf32>
    %lt3A_158 = arith.cmpf olt, %add3A_157, %select_n3A_148 : vector<256x128xf32>
    %select_n3A_159 = arith.select %lt3A_158, %add3A_157, %select_n3A_148 : vector<256x128xi1>, vector<256x128xf32>
    %jit3A_160 = arith.constant 1.200000e+01 : f32
    %broadcast_in_dim3A_161 = vector.broadcast %jit3A_160 : f32 to vector<256x128xf32>
    %select_n3A_162 = arith.select %lt3A_158, %broadcast_in_dim3A_161, %select_n3A_151 : vector<256x128xi1>, vector<256x128xf32>
    %slice3A_163 = vector.extract_strided_slice %dot_general3A_20 {offsets = [0, 1664], sizes = [256, 128], strides = [1, 1]} : vector<1024x4096xf32> to vector<256x128xf32>
    %sub3A_164 = vector.broadcast %slice3A_26 : vector<256x1xf32> to vector<256x128xf32>
    %sub3A_165 = arith.subf %sub3A_164, %slice3A_163 : vector<256x128xf32>
    %slice3A_166 = vector.extract_strided_slice %get3A_23 {offsets = [0, 1664], sizes = [1, 128], strides = [1, 1]} : vector<1x4096xf32> to vector<1x128xf32>
    %add3A_167 = vector.broadcast %slice3A_166 : vector<1x128xf32> to vector<256x128xf32>
    %add3A_168 = arith.addf %sub3A_165, %add3A_167 : vector<256x128xf32>
    %lt3A_169 = arith.cmpf olt, %add3A_168, %select_n3A_159 : vector<256x128xf32>
    %select_n3A_170 = arith.select %lt3A_169, %add3A_168, %select_n3A_159 : vector<256x128xi1>, vector<256x128xf32>
    %jit3A_171 = arith.constant 1.300000e+01 : f32
    %broadcast_in_dim3A_172 = vector.broadcast %jit3A_171 : f32 to vector<256x128xf32>
    %select_n3A_173 = arith.select %lt3A_169, %broadcast_in_dim3A_172, %select_n3A_162 : vector<256x128xi1>, vector<256x128xf32>
    %slice3A_174 = vector.extract_strided_slice %dot_general3A_20 {offsets = [0, 1792], sizes = [256, 128], strides = [1, 1]} : vector<1024x4096xf32> to vector<256x128xf32>
    %sub3A_175 = vector.broadcast %slice3A_26 : vector<256x1xf32> to vector<256x128xf32>
    %sub3A_176 = arith.subf %sub3A_175, %slice3A_174 : vector<256x128xf32>
    %slice3A_177 = vector.extract_strided_slice %get3A_23 {offsets = [0, 1792], sizes = [1, 128], strides = [1, 1]} : vector<1x4096xf32> to vector<1x128xf32>
    %add3A_178 = vector.broadcast %slice3A_177 : vector<1x128xf32> to vector<256x128xf32>
    %add3A_179 = arith.addf %sub3A_176, %add3A_178 : vector<256x128xf32>
    %lt3A_180 = arith.cmpf olt, %add3A_179, %select_n3A_170 : vector<256x128xf32>
    %select_n3A_181 = arith.select %lt3A_180, %add3A_179, %select_n3A_170 : vector<256x128xi1>, vector<256x128xf32>
    %jit3A_182 = arith.constant 1.400000e+01 : f32
    %broadcast_in_dim3A_183 = vector.broadcast %jit3A_182 : f32 to vector<256x128xf32>
    %select_n3A_184 = arith.select %lt3A_180, %broadcast_in_dim3A_183, %select_n3A_173 : vector<256x128xi1>, vector<256x128xf32>
    %slice3A_185 = vector.extract_strided_slice %dot_general3A_20 {offsets = [0, 1920], sizes = [256, 128], strides = [1, 1]} : vector<1024x4096xf32> to vector<256x128xf32>
    %sub3A_186 = vector.broadcast %slice3A_26 : vector<256x1xf32> to vector<256x128xf32>
    %sub3A_187 = arith.subf %sub3A_186, %slice3A_185 : vector<256x128xf32>
    %slice3A_188 = vector.extract_strided_slice %get3A_23 {offsets = [0, 1920], sizes = [1, 128], strides = [1, 1]} : vector<1x4096xf32> to vector<1x128xf32>
    %add3A_189 = vector.broadcast %slice3A_188 : vector<1x128xf32> to vector<256x128xf32>
    %add3A_190 = arith.addf %sub3A_187, %add3A_189 : vector<256x128xf32>
    %lt3A_191 = arith.cmpf olt, %add3A_190, %select_n3A_181 : vector<256x128xf32>
    %select_n3A_192 = arith.select %lt3A_191, %add3A_190, %select_n3A_181 : vector<256x128xi1>, vector<256x128xf32>
    %jit3A_193 = arith.constant 1.500000e+01 : f32
    %broadcast_in_dim3A_194 = vector.broadcast %jit3A_193 : f32 to vector<256x128xf32>
    %select_n3A_195 = arith.select %lt3A_191, %broadcast_in_dim3A_194, %select_n3A_184 : vector<256x128xi1>, vector<256x128xf32>
    %slice3A_196 = vector.extract_strided_slice %dot_general3A_20 {offsets = [0, 2048], sizes = [256, 128], strides = [1, 1]} : vector<1024x4096xf32> to vector<256x128xf32>
    %sub3A_197 = vector.broadcast %slice3A_26 : vector<256x1xf32> to vector<256x128xf32>
    %sub3A_198 = arith.subf %sub3A_197, %slice3A_196 : vector<256x128xf32>
    %slice3A_199 = vector.extract_strided_slice %get3A_23 {offsets = [0, 2048], sizes = [1, 128], strides = [1, 1]} : vector<1x4096xf32> to vector<1x128xf32>
    %add3A_200 = vector.broadcast %slice3A_199 : vector<1x128xf32> to vector<256x128xf32>
    %add3A_201 = arith.addf %sub3A_198, %add3A_200 : vector<256x128xf32>
    %lt3A_202 = arith.cmpf olt, %add3A_201, %select_n3A_192 : vector<256x128xf32>
    %select_n3A_203 = arith.select %lt3A_202, %add3A_201, %select_n3A_192 : vector<256x128xi1>, vector<256x128xf32>
    %jit3A_204 = arith.constant 1.600000e+01 : f32
    %broadcast_in_dim3A_205 = vector.broadcast %jit3A_204 : f32 to vector<256x128xf32>
    %select_n3A_206 = arith.select %lt3A_202, %broadcast_in_dim3A_205, %select_n3A_195 : vector<256x128xi1>, vector<256x128xf32>
    %slice3A_207 = vector.extract_strided_slice %dot_general3A_20 {offsets = [0, 2176], sizes = [256, 128], strides = [1, 1]} : vector<1024x4096xf32> to vector<256x128xf32>
    %sub3A_208 = vector.broadcast %slice3A_26 : vector<256x1xf32> to vector<256x128xf32>
    %sub3A_209 = arith.subf %sub3A_208, %slice3A_207 : vector<256x128xf32>
    %slice3A_210 = vector.extract_strided_slice %get3A_23 {offsets = [0, 2176], sizes = [1, 128], strides = [1, 1]} : vector<1x4096xf32> to vector<1x128xf32>
    %add3A_211 = vector.broadcast %slice3A_210 : vector<1x128xf32> to vector<256x128xf32>
    %add3A_212 = arith.addf %sub3A_209, %add3A_211 : vector<256x128xf32>
    %lt3A_213 = arith.cmpf olt, %add3A_212, %select_n3A_203 : vector<256x128xf32>
    %select_n3A_214 = arith.select %lt3A_213, %add3A_212, %select_n3A_203 : vector<256x128xi1>, vector<256x128xf32>
    %jit3A_215 = arith.constant 1.700000e+01 : f32
    %broadcast_in_dim3A_216 = vector.broadcast %jit3A_215 : f32 to vector<256x128xf32>
    %select_n3A_217 = arith.select %lt3A_213, %broadcast_in_dim3A_216, %select_n3A_206 : vector<256x128xi1>, vector<256x128xf32>
    %slice3A_218 = vector.extract_strided_slice %dot_general3A_20 {offsets = [0, 2304], sizes = [256, 128], strides = [1, 1]} : vector<1024x4096xf32> to vector<256x128xf32>
    %sub3A_219 = vector.broadcast %slice3A_26 : vector<256x1xf32> to vector<256x128xf32>
    %sub3A_220 = arith.subf %sub3A_219, %slice3A_218 : vector<256x128xf32>
    %slice3A_221 = vector.extract_strided_slice %get3A_23 {offsets = [0, 2304], sizes = [1, 128], strides = [1, 1]} : vector<1x4096xf32> to vector<1x128xf32>
    %add3A_222 = vector.broadcast %slice3A_221 : vector<1x128xf32> to vector<256x128xf32>
    %add3A_223 = arith.addf %sub3A_220, %add3A_222 : vector<256x128xf32>
    %lt3A_224 = arith.cmpf olt, %add3A_223, %select_n3A_214 : vector<256x128xf32>
    %select_n3A_225 = arith.select %lt3A_224, %add3A_223, %select_n3A_214 : vector<256x128xi1>, vector<256x128xf32>
    %jit3A_226 = arith.constant 1.800000e+01 : f32
    %broadcast_in_dim3A_227 = vector.broadcast %jit3A_226 : f32 to vector<256x128xf32>
    %select_n3A_228 = arith.select %lt3A_224, %broadcast_in_dim3A_227, %select_n3A_217 : vector<256x128xi1>, vector<256x128xf32>
    %slice3A_229 = vector.extract_strided_slice %dot_general3A_20 {offsets = [0, 2432], sizes = [256, 128], strides = [1, 1]} : vector<1024x4096xf32> to vector<256x128xf32>
    %sub3A_230 = vector.broadcast %slice3A_26 : vector<256x1xf32> to vector<256x128xf32>
    %sub3A_231 = arith.subf %sub3A_230, %slice3A_229 : vector<256x128xf32>
    %slice3A_232 = vector.extract_strided_slice %get3A_23 {offsets = [0, 2432], sizes = [1, 128], strides = [1, 1]} : vector<1x4096xf32> to vector<1x128xf32>
    %add3A_233 = vector.broadcast %slice3A_232 : vector<1x128xf32> to vector<256x128xf32>
    %add3A_234 = arith.addf %sub3A_231, %add3A_233 : vector<256x128xf32>
    %lt3A_235 = arith.cmpf olt, %add3A_234, %select_n3A_225 : vector<256x128xf32>
    %select_n3A_236 = arith.select %lt3A_235, %add3A_234, %select_n3A_225 : vector<256x128xi1>, vector<256x128xf32>
    %jit3A_237 = arith.constant 1.900000e+01 : f32
    %broadcast_in_dim3A_238 = vector.broadcast %jit3A_237 : f32 to vector<256x128xf32>
    %select_n3A_239 = arith.select %lt3A_235, %broadcast_in_dim3A_238, %select_n3A_228 : vector<256x128xi1>, vector<256x128xf32>
    %slice3A_240 = vector.extract_strided_slice %dot_general3A_20 {offsets = [0, 2560], sizes = [256, 128], strides = [1, 1]} : vector<1024x4096xf32> to vector<256x128xf32>
    %sub3A_241 = vector.broadcast %slice3A_26 : vector<256x1xf32> to vector<256x128xf32>
    %sub3A_242 = arith.subf %sub3A_241, %slice3A_240 : vector<256x128xf32>
    %slice3A_243 = vector.extract_strided_slice %get3A_23 {offsets = [0, 2560], sizes = [1, 128], strides = [1, 1]} : vector<1x4096xf32> to vector<1x128xf32>
    %add3A_244 = vector.broadcast %slice3A_243 : vector<1x128xf32> to vector<256x128xf32>
    %add3A_245 = arith.addf %sub3A_242, %add3A_244 : vector<256x128xf32>
    %lt3A_246 = arith.cmpf olt, %add3A_245, %select_n3A_236 : vector<256x128xf32>
    %select_n3A_247 = arith.select %lt3A_246, %add3A_245, %select_n3A_236 : vector<256x128xi1>, vector<256x128xf32>
    %jit3A_248 = arith.constant 2.000000e+01 : f32
    %broadcast_in_dim3A_249 = vector.broadcast %jit3A_248 : f32 to vector<256x128xf32>
    %select_n3A_250 = arith.select %lt3A_246, %broadcast_in_dim3A_249, %select_n3A_239 : vector<256x128xi1>, vector<256x128xf32>
    %slice3A_251 = vector.extract_strided_slice %dot_general3A_20 {offsets = [0, 2688], sizes = [256, 128], strides = [1, 1]} : vector<1024x4096xf32> to vector<256x128xf32>
    %sub3A_252 = vector.broadcast %slice3A_26 : vector<256x1xf32> to vector<256x128xf32>
    %sub3A_253 = arith.subf %sub3A_252, %slice3A_251 : vector<256x128xf32>
    %slice3A_254 = vector.extract_strided_slice %get3A_23 {offsets = [0, 2688], sizes = [1, 128], strides = [1, 1]} : vector<1x4096xf32> to vector<1x128xf32>
    %add3A_255 = vector.broadcast %slice3A_254 : vector<1x128xf32> to vector<256x128xf32>
    %add3A_256 = arith.addf %sub3A_253, %add3A_255 : vector<256x128xf32>
    %lt3A_257 = arith.cmpf olt, %add3A_256, %select_n3A_247 : vector<256x128xf32>
    %select_n3A_258 = arith.select %lt3A_257, %add3A_256, %select_n3A_247 : vector<256x128xi1>, vector<256x128xf32>
    %jit3A_259 = arith.constant 2.100000e+01 : f32
    %broadcast_in_dim3A_260 = vector.broadcast %jit3A_259 : f32 to vector<256x128xf32>
    %select_n3A_261 = arith.select %lt3A_257, %broadcast_in_dim3A_260, %select_n3A_250 : vector<256x128xi1>, vector<256x128xf32>
    %slice3A_262 = vector.extract_strided_slice %dot_general3A_20 {offsets = [0, 2816], sizes = [256, 128], strides = [1, 1]} : vector<1024x4096xf32> to vector<256x128xf32>
    %sub3A_263 = vector.broadcast %slice3A_26 : vector<256x1xf32> to vector<256x128xf32>
    %sub3A_264 = arith.subf %sub3A_263, %slice3A_262 : vector<256x128xf32>
    %slice3A_265 = vector.extract_strided_slice %get3A_23 {offsets = [0, 2816], sizes = [1, 128], strides = [1, 1]} : vector<1x4096xf32> to vector<1x128xf32>
    %add3A_266 = vector.broadcast %slice3A_265 : vector<1x128xf32> to vector<256x128xf32>
    %add3A_267 = arith.addf %sub3A_264, %add3A_266 : vector<256x128xf32>
    %lt3A_268 = arith.cmpf olt, %add3A_267, %select_n3A_258 : vector<256x128xf32>
    %select_n3A_269 = arith.select %lt3A_268, %add3A_267, %select_n3A_258 : vector<256x128xi1>, vector<256x128xf32>
    %jit3A_270 = arith.constant 2.200000e+01 : f32
    %broadcast_in_dim3A_271 = vector.broadcast %jit3A_270 : f32 to vector<256x128xf32>
    %select_n3A_272 = arith.select %lt3A_268, %broadcast_in_dim3A_271, %select_n3A_261 : vector<256x128xi1>, vector<256x128xf32>
    %slice3A_273 = vector.extract_strided_slice %dot_general3A_20 {offsets = [0, 2944], sizes = [256, 128], strides = [1, 1]} : vector<1024x4096xf32> to vector<256x128xf32>
    %sub3A_274 = vector.broadcast %slice3A_26 : vector<256x1xf32> to vector<256x128xf32>
    %sub3A_275 = arith.subf %sub3A_274, %slice3A_273 : vector<256x128xf32>
    %slice3A_276 = vector.extract_strided_slice %get3A_23 {offsets = [0, 2944], sizes = [1, 128], strides = [1, 1]} : vector<1x4096xf32> to vector<1x128xf32>
    %add3A_277 = vector.broadcast %slice3A_276 : vector<1x128xf32> to vector<256x128xf32>
    %add3A_278 = arith.addf %sub3A_275, %add3A_277 : vector<256x128xf32>
    %lt3A_279 = arith.cmpf olt, %add3A_278, %select_n3A_269 : vector<256x128xf32>
    %select_n3A_280 = arith.select %lt3A_279, %add3A_278, %select_n3A_269 : vector<256x128xi1>, vector<256x128xf32>
    %jit3A_281 = arith.constant 2.300000e+01 : f32
    %broadcast_in_dim3A_282 = vector.broadcast %jit3A_281 : f32 to vector<256x128xf32>
    %select_n3A_283 = arith.select %lt3A_279, %broadcast_in_dim3A_282, %select_n3A_272 : vector<256x128xi1>, vector<256x128xf32>
    %slice3A_284 = vector.extract_strided_slice %dot_general3A_20 {offsets = [0, 3072], sizes = [256, 128], strides = [1, 1]} : vector<1024x4096xf32> to vector<256x128xf32>
    %sub3A_285 = vector.broadcast %slice3A_26 : vector<256x1xf32> to vector<256x128xf32>
    %sub3A_286 = arith.subf %sub3A_285, %slice3A_284 : vector<256x128xf32>
    %slice3A_287 = vector.extract_strided_slice %get3A_23 {offsets = [0, 3072], sizes = [1, 128], strides = [1, 1]} : vector<1x4096xf32> to vector<1x128xf32>
    %add3A_288 = vector.broadcast %slice3A_287 : vector<1x128xf32> to vector<256x128xf32>
    %add3A_289 = arith.addf %sub3A_286, %add3A_288 : vector<256x128xf32>
    %lt3A_290 = arith.cmpf olt, %add3A_289, %select_n3A_280 : vector<256x128xf32>
    %select_n3A_291 = arith.select %lt3A_290, %add3A_289, %select_n3A_280 : vector<256x128xi1>, vector<256x128xf32>
    %jit3A_292 = arith.constant 2.400000e+01 : f32
    %broadcast_in_dim3A_293 = vector.broadcast %jit3A_292 : f32 to vector<256x128xf32>
    %select_n3A_294 = arith.select %lt3A_290, %broadcast_in_dim3A_293, %select_n3A_283 : vector<256x128xi1>, vector<256x128xf32>
    %slice3A_295 = vector.extract_strided_slice %dot_general3A_20 {offsets = [0, 3200], sizes = [256, 128], strides = [1, 1]} : vector<1024x4096xf32> to vector<256x128xf32>
    %sub3A_296 = vector.broadcast %slice3A_26 : vector<256x1xf32> to vector<256x128xf32>
    %sub3A_297 = arith.subf %sub3A_296, %slice3A_295 : vector<256x128xf32>
    %slice3A_298 = vector.extract_strided_slice %get3A_23 {offsets = [0, 3200], sizes = [1, 128], strides = [1, 1]} : vector<1x4096xf32> to vector<1x128xf32>
    %add3A_299 = vector.broadcast %slice3A_298 : vector<1x128xf32> to vector<256x128xf32>
    %add3A_300 = arith.addf %sub3A_297, %add3A_299 : vector<256x128xf32>
    %lt3A_301 = arith.cmpf olt, %add3A_300, %select_n3A_291 : vector<256x128xf32>
    %select_n3A_302 = arith.select %lt3A_301, %add3A_300, %select_n3A_291 : vector<256x128xi1>, vector<256x128xf32>
    %jit3A_303 = arith.constant 2.500000e+01 : f32
    %broadcast_in_dim3A_304 = vector.broadcast %jit3A_303 : f32 to vector<256x128xf32>
    %select_n3A_305 = arith.select %lt3A_301, %broadcast_in_dim3A_304, %select_n3A_294 : vector<256x128xi1>, vector<256x128xf32>
    %slice3A_306 = vector.extract_strided_slice %dot_general3A_20 {offsets = [0, 3328], sizes = [256, 128], strides = [1, 1]} : vector<1024x4096xf32> to vector<256x128xf32>
    %sub3A_307 = vector.broadcast %slice3A_26 : vector<256x1xf32> to vector<256x128xf32>
    %sub3A_308 = arith.subf %sub3A_307, %slice3A_306 : vector<256x128xf32>
    %slice3A_309 = vector.extract_strided_slice %get3A_23 {offsets = [0, 3328], sizes = [1, 128], strides = [1, 1]} : vector<1x4096xf32> to vector<1x128xf32>
    %add3A_310 = vector.broadcast %slice3A_309 : vector<1x128xf32> to vector<256x128xf32>
    %add3A_311 = arith.addf %sub3A_308, %add3A_310 : vector<256x128xf32>
    %lt3A_312 = arith.cmpf olt, %add3A_311, %select_n3A_302 : vector<256x128xf32>
    %select_n3A_313 = arith.select %lt3A_312, %add3A_311, %select_n3A_302 : vector<256x128xi1>, vector<256x128xf32>
    %jit3A_314 = arith.constant 2.600000e+01 : f32
    %broadcast_in_dim3A_315 = vector.broadcast %jit3A_314 : f32 to vector<256x128xf32>
    %select_n3A_316 = arith.select %lt3A_312, %broadcast_in_dim3A_315, %select_n3A_305 : vector<256x128xi1>, vector<256x128xf32>
    %slice3A_317 = vector.extract_strided_slice %dot_general3A_20 {offsets = [0, 3456], sizes = [256, 128], strides = [1, 1]} : vector<1024x4096xf32> to vector<256x128xf32>
    %sub3A_318 = vector.broadcast %slice3A_26 : vector<256x1xf32> to vector<256x128xf32>
    %sub3A_319 = arith.subf %sub3A_318, %slice3A_317 : vector<256x128xf32>
    %slice3A_320 = vector.extract_strided_slice %get3A_23 {offsets = [0, 3456], sizes = [1, 128], strides = [1, 1]} : vector<1x4096xf32> to vector<1x128xf32>
    %add3A_321 = vector.broadcast %slice3A_320 : vector<1x128xf32> to vector<256x128xf32>
    %add3A_322 = arith.addf %sub3A_319, %add3A_321 : vector<256x128xf32>
    %lt3A_323 = arith.cmpf olt, %add3A_322, %select_n3A_313 : vector<256x128xf32>
    %select_n3A_324 = arith.select %lt3A_323, %add3A_322, %select_n3A_313 : vector<256x128xi1>, vector<256x128xf32>
    %jit3A_325 = arith.constant 2.700000e+01 : f32
    %broadcast_in_dim3A_326 = vector.broadcast %jit3A_325 : f32 to vector<256x128xf32>
    %select_n3A_327 = arith.select %lt3A_323, %broadcast_in_dim3A_326, %select_n3A_316 : vector<256x128xi1>, vector<256x128xf32>
    %slice3A_328 = vector.extract_strided_slice %dot_general3A_20 {offsets = [0, 3584], sizes = [256, 128], strides = [1, 1]} : vector<1024x4096xf32> to vector<256x128xf32>
    %sub3A_329 = vector.broadcast %slice3A_26 : vector<256x1xf32> to vector<256x128xf32>
    %sub3A_330 = arith.subf %sub3A_329, %slice3A_328 : vector<256x128xf32>
    %slice3A_331 = vector.extract_strided_slice %get3A_23 {offsets = [0, 3584], sizes = [1, 128], strides = [1, 1]} : vector<1x4096xf32> to vector<1x128xf32>
    %add3A_332 = vector.broadcast %slice3A_331 : vector<1x128xf32> to vector<256x128xf32>
    %add3A_333 = arith.addf %sub3A_330, %add3A_332 : vector<256x128xf32>
    %lt3A_334 = arith.cmpf olt, %add3A_333, %select_n3A_324 : vector<256x128xf32>
    %select_n3A_335 = arith.select %lt3A_334, %add3A_333, %select_n3A_324 : vector<256x128xi1>, vector<256x128xf32>
    %jit3A_336 = arith.constant 2.800000e+01 : f32
    %broadcast_in_dim3A_337 = vector.broadcast %jit3A_336 : f32 to vector<256x128xf32>
    %select_n3A_338 = arith.select %lt3A_334, %broadcast_in_dim3A_337, %select_n3A_327 : vector<256x128xi1>, vector<256x128xf32>
    %slice3A_339 = vector.extract_strided_slice %dot_general3A_20 {offsets = [0, 3712], sizes = [256, 128], strides = [1, 1]} : vector<1024x4096xf32> to vector<256x128xf32>
    %sub3A_340 = vector.broadcast %slice3A_26 : vector<256x1xf32> to vector<256x128xf32>
    %sub3A_341 = arith.subf %sub3A_340, %slice3A_339 : vector<256x128xf32>
    %slice3A_342 = vector.extract_strided_slice %get3A_23 {offsets = [0, 3712], sizes = [1, 128], strides = [1, 1]} : vector<1x4096xf32> to vector<1x128xf32>
    %add3A_343 = vector.broadcast %slice3A_342 : vector<1x128xf32> to vector<256x128xf32>
    %add3A_344 = arith.addf %sub3A_341, %add3A_343 : vector<256x128xf32>
    %lt3A_345 = arith.cmpf olt, %add3A_344, %select_n3A_335 : vector<256x128xf32>
    %select_n3A_346 = arith.select %lt3A_345, %add3A_344, %select_n3A_335 : vector<256x128xi1>, vector<256x128xf32>
    %jit3A_347 = arith.constant 2.900000e+01 : f32
    %broadcast_in_dim3A_348 = vector.broadcast %jit3A_347 : f32 to vector<256x128xf32>
    %select_n3A_349 = arith.select %lt3A_345, %broadcast_in_dim3A_348, %select_n3A_338 : vector<256x128xi1>, vector<256x128xf32>
    %slice3A_350 = vector.extract_strided_slice %dot_general3A_20 {offsets = [0, 3840], sizes = [256, 128], strides = [1, 1]} : vector<1024x4096xf32> to vector<256x128xf32>
    %sub3A_351 = vector.broadcast %slice3A_26 : vector<256x1xf32> to vector<256x128xf32>
    %sub3A_352 = arith.subf %sub3A_351, %slice3A_350 : vector<256x128xf32>
    %slice3A_353 = vector.extract_strided_slice %get3A_23 {offsets = [0, 3840], sizes = [1, 128], strides = [1, 1]} : vector<1x4096xf32> to vector<1x128xf32>
    %add3A_354 = vector.broadcast %slice3A_353 : vector<1x128xf32> to vector<256x128xf32>
    %add3A_355 = arith.addf %sub3A_352, %add3A_354 : vector<256x128xf32>
    %lt3A_356 = arith.cmpf olt, %add3A_355, %select_n3A_346 : vector<256x128xf32>
    %select_n3A_357 = arith.select %lt3A_356, %add3A_355, %select_n3A_346 : vector<256x128xi1>, vector<256x128xf32>
    %jit3A_358 = arith.constant 3.000000e+01 : f32
    %broadcast_in_dim3A_359 = vector.broadcast %jit3A_358 : f32 to vector<256x128xf32>
    %select_n3A_360 = arith.select %lt3A_356, %broadcast_in_dim3A_359, %select_n3A_349 : vector<256x128xi1>, vector<256x128xf32>
    %slice3A_361 = vector.extract_strided_slice %dot_general3A_20 {offsets = [0, 3968], sizes = [256, 128], strides = [1, 1]} : vector<1024x4096xf32> to vector<256x128xf32>
    %sub3A_362 = vector.broadcast %slice3A_26 : vector<256x1xf32> to vector<256x128xf32>
    %sub3A_363 = arith.subf %sub3A_362, %slice3A_361 : vector<256x128xf32>
    %slice3A_364 = vector.extract_strided_slice %get3A_23 {offsets = [0, 3968], sizes = [1, 128], strides = [1, 1]} : vector<1x4096xf32> to vector<1x128xf32>
    %add3A_365 = vector.broadcast %slice3A_364 : vector<1x128xf32> to vector<256x128xf32>
    %add3A_366 = arith.addf %sub3A_363, %add3A_365 : vector<256x128xf32>
    %lt3A_367 = arith.cmpf olt, %add3A_366, %select_n3A_357 : vector<256x128xf32>
    %select_n3A_368 = arith.select %lt3A_367, %add3A_366, %select_n3A_357 : vector<256x128xi1>, vector<256x128xf32>
    %jit3A_369 = arith.constant 3.100000e+01 : f32
    %broadcast_in_dim3A_370 = vector.broadcast %jit3A_369 : f32 to vector<256x128xf32>
    %select_n3A_371 = arith.select %lt3A_367, %broadcast_in_dim3A_370, %select_n3A_360 : vector<256x128xi1>, vector<256x128xf32>
    %reduce_min3A = arith.constant dense<0x7F800000> : vector<256xf32>
    %reduce_min3A_372 = vector.multi_reduction <minimumf>, %select_n3A_368, %reduce_min3A [1] : vector<256x128xf32> to vector<256xf32>
    %broadcast_in_dim3A_373 = vector.shape_cast %reduce_min3A_372 : vector<256xf32> to vector<256x1xf32>
    %mul3A_374 = arith.constant 1.280000e+02 : f32
    %mul3A_375 = vector.broadcast %mul3A_374 : f32 to vector<256x128xf32>
    %mul3A_376 = arith.mulf %select_n3A_371, %mul3A_375 : vector<256x128xf32>
    %add3A_377 = arith.addf %mul3A_376, %convert_element_type3A_25 : vector<256x128xf32>
    %eq3A = vector.broadcast %broadcast_in_dim3A_373 : vector<256x1xf32> to vector<256x128xf32>
    %eq3A_378 = arith.cmpf oeq, %select_n3A_368, %eq3A : vector<256x128xf32>
    %jit3A_379 = arith.constant 4.096000e+03 : f32
    %broadcast_in_dim3A_380 = vector.broadcast %jit3A_379 : f32 to vector<256x128xf32>
    %select_n3A_381 = arith.select %eq3A_378, %add3A_377, %broadcast_in_dim3A_380 : vector<256x128xi1>, vector<256x128xf32>
    %reduce_min3A_382 = arith.constant dense<0x7F800000> : vector<256xf32>
    %reduce_min3A_383 = vector.multi_reduction <minimumf>, %select_n3A_381, %reduce_min3A_382 [1] : vector<256x128xf32> to vector<256xf32>
    %convert_element_type3A_384 = arith.fptosi %reduce_min3A_383 : vector<256xf32> to vector<256xi32>
    %reshape3A = vector.shape_cast %convert_element_type3A_384 : vector<256xi32> to vector<1x256xi32>
    %reduce_sum3A = vector.shape_cast %broadcast_in_dim3A_373 : vector<256x1xf32> to vector<1x256x1xf32>
    %reduce_sum3A_385 = arith.constant dense<0.000000e+00> : vector<1xf32>
    %reduce_sum3A_386 = vector.multi_reduction <add>, %reduce_sum3A, %reduce_sum3A_385 [1, 2] : vector<1x256x1xf32> to vector<1xf32>
    %reduce_sum3A_387 = vector.shape_cast %reduce_sum3A_386 : vector<1xf32> to vector<1x1x1xf32>
    %reduce_sum3A_388 = vector.extract %reduce_sum3A_387[0, 0, 0] : f32 from vector<1x1x1xf32>
    %reshape3A_389 = vector.broadcast %reduce_sum3A_388 : f32 to vector<1x1xf32>
    %add3A_390 = arith.addf %broadcast_in_dim3A_24, %reshape3A_389 : vector<1x1xf32>
    %slice3A_391 = vector.extract_strided_slice %add3A_16 {offsets = [256, 0], sizes = [256, 1], strides = [1, 1]} : vector<1024x1xf32> to vector<256x1xf32>
    %slice3A_392 = vector.extract_strided_slice %dot_general3A_20 {offsets = [256, 0], sizes = [256, 128], strides = [1, 1]} : vector<1024x4096xf32> to vector<256x128xf32>
    %sub3A_393 = vector.broadcast %slice3A_391 : vector<256x1xf32> to vector<256x128xf32>
    %sub3A_394 = arith.subf %sub3A_393, %slice3A_392 : vector<256x128xf32>
    %slice3A_395 = vector.extract_strided_slice %get3A_23 {offsets = [0, 0], sizes = [1, 128], strides = [1, 1]} : vector<1x4096xf32> to vector<1x128xf32>
    %add3A_396 = vector.broadcast %slice3A_395 : vector<1x128xf32> to vector<256x128xf32>
    %add3A_397 = arith.addf %sub3A_394, %add3A_396 : vector<256x128xf32>
    %broadcast_in_dim3A_398 = arith.constant 0.000000e+00 : f32
    %broadcast_in_dim3A_399 = vector.broadcast %broadcast_in_dim3A_398 : f32 to vector<256x128xf32>
    %slice3A_400 = vector.extract_strided_slice %dot_general3A_20 {offsets = [256, 128], sizes = [256, 128], strides = [1, 1]} : vector<1024x4096xf32> to vector<256x128xf32>
    %sub3A_401 = vector.broadcast %slice3A_391 : vector<256x1xf32> to vector<256x128xf32>
    %sub3A_402 = arith.subf %sub3A_401, %slice3A_400 : vector<256x128xf32>
    %slice3A_403 = vector.extract_strided_slice %get3A_23 {offsets = [0, 128], sizes = [1, 128], strides = [1, 1]} : vector<1x4096xf32> to vector<1x128xf32>
    %add3A_404 = vector.broadcast %slice3A_403 : vector<1x128xf32> to vector<256x128xf32>
    %add3A_405 = arith.addf %sub3A_402, %add3A_404 : vector<256x128xf32>
    %lt3A_406 = arith.cmpf olt, %add3A_405, %add3A_397 : vector<256x128xf32>
    %select_n3A_407 = arith.select %lt3A_406, %add3A_405, %add3A_397 : vector<256x128xi1>, vector<256x128xf32>
    %jit3A_408 = arith.constant 1.000000e+00 : f32
    %broadcast_in_dim3A_409 = vector.broadcast %jit3A_408 : f32 to vector<256x128xf32>
    %select_n3A_410 = arith.select %lt3A_406, %broadcast_in_dim3A_409, %broadcast_in_dim3A_399 : vector<256x128xi1>, vector<256x128xf32>
    %slice3A_411 = vector.extract_strided_slice %dot_general3A_20 {offsets = [256, 256], sizes = [256, 128], strides = [1, 1]} : vector<1024x4096xf32> to vector<256x128xf32>
    %sub3A_412 = vector.broadcast %slice3A_391 : vector<256x1xf32> to vector<256x128xf32>
    %sub3A_413 = arith.subf %sub3A_412, %slice3A_411 : vector<256x128xf32>
    %slice3A_414 = vector.extract_strided_slice %get3A_23 {offsets = [0, 256], sizes = [1, 128], strides = [1, 1]} : vector<1x4096xf32> to vector<1x128xf32>
    %add3A_415 = vector.broadcast %slice3A_414 : vector<1x128xf32> to vector<256x128xf32>
    %add3A_416 = arith.addf %sub3A_413, %add3A_415 : vector<256x128xf32>
    %lt3A_417 = arith.cmpf olt, %add3A_416, %select_n3A_407 : vector<256x128xf32>
    %select_n3A_418 = arith.select %lt3A_417, %add3A_416, %select_n3A_407 : vector<256x128xi1>, vector<256x128xf32>
    %jit3A_419 = arith.constant 2.000000e+00 : f32
    %broadcast_in_dim3A_420 = vector.broadcast %jit3A_419 : f32 to vector<256x128xf32>
    %select_n3A_421 = arith.select %lt3A_417, %broadcast_in_dim3A_420, %select_n3A_410 : vector<256x128xi1>, vector<256x128xf32>
    %slice3A_422 = vector.extract_strided_slice %dot_general3A_20 {offsets = [256, 384], sizes = [256, 128], strides = [1, 1]} : vector<1024x4096xf32> to vector<256x128xf32>
    %sub3A_423 = vector.broadcast %slice3A_391 : vector<256x1xf32> to vector<256x128xf32>
    %sub3A_424 = arith.subf %sub3A_423, %slice3A_422 : vector<256x128xf32>
    %slice3A_425 = vector.extract_strided_slice %get3A_23 {offsets = [0, 384], sizes = [1, 128], strides = [1, 1]} : vector<1x4096xf32> to vector<1x128xf32>
    %add3A_426 = vector.broadcast %slice3A_425 : vector<1x128xf32> to vector<256x128xf32>
    %add3A_427 = arith.addf %sub3A_424, %add3A_426 : vector<256x128xf32>
    %lt3A_428 = arith.cmpf olt, %add3A_427, %select_n3A_418 : vector<256x128xf32>
    %select_n3A_429 = arith.select %lt3A_428, %add3A_427, %select_n3A_418 : vector<256x128xi1>, vector<256x128xf32>
    %jit3A_430 = arith.constant 3.000000e+00 : f32
    %broadcast_in_dim3A_431 = vector.broadcast %jit3A_430 : f32 to vector<256x128xf32>
    %select_n3A_432 = arith.select %lt3A_428, %broadcast_in_dim3A_431, %select_n3A_421 : vector<256x128xi1>, vector<256x128xf32>
    %slice3A_433 = vector.extract_strided_slice %dot_general3A_20 {offsets = [256, 512], sizes = [256, 128], strides = [1, 1]} : vector<1024x4096xf32> to vector<256x128xf32>
    %sub3A_434 = vector.broadcast %slice3A_391 : vector<256x1xf32> to vector<256x128xf32>
    %sub3A_435 = arith.subf %sub3A_434, %slice3A_433 : vector<256x128xf32>
    %slice3A_436 = vector.extract_strided_slice %get3A_23 {offsets = [0, 512], sizes = [1, 128], strides = [1, 1]} : vector<1x4096xf32> to vector<1x128xf32>
    %add3A_437 = vector.broadcast %slice3A_436 : vector<1x128xf32> to vector<256x128xf32>
    %add3A_438 = arith.addf %sub3A_435, %add3A_437 : vector<256x128xf32>
    %lt3A_439 = arith.cmpf olt, %add3A_438, %select_n3A_429 : vector<256x128xf32>
    %select_n3A_440 = arith.select %lt3A_439, %add3A_438, %select_n3A_429 : vector<256x128xi1>, vector<256x128xf32>
    %jit3A_441 = arith.constant 4.000000e+00 : f32
    %broadcast_in_dim3A_442 = vector.broadcast %jit3A_441 : f32 to vector<256x128xf32>
    %select_n3A_443 = arith.select %lt3A_439, %broadcast_in_dim3A_442, %select_n3A_432 : vector<256x128xi1>, vector<256x128xf32>
    %slice3A_444 = vector.extract_strided_slice %dot_general3A_20 {offsets = [256, 640], sizes = [256, 128], strides = [1, 1]} : vector<1024x4096xf32> to vector<256x128xf32>
    %sub3A_445 = vector.broadcast %slice3A_391 : vector<256x1xf32> to vector<256x128xf32>
    %sub3A_446 = arith.subf %sub3A_445, %slice3A_444 : vector<256x128xf32>
    %slice3A_447 = vector.extract_strided_slice %get3A_23 {offsets = [0, 640], sizes = [1, 128], strides = [1, 1]} : vector<1x4096xf32> to vector<1x128xf32>
    %add3A_448 = vector.broadcast %slice3A_447 : vector<1x128xf32> to vector<256x128xf32>
    %add3A_449 = arith.addf %sub3A_446, %add3A_448 : vector<256x128xf32>
    %lt3A_450 = arith.cmpf olt, %add3A_449, %select_n3A_440 : vector<256x128xf32>
    %select_n3A_451 = arith.select %lt3A_450, %add3A_449, %select_n3A_440 : vector<256x128xi1>, vector<256x128xf32>
    %jit3A_452 = arith.constant 5.000000e+00 : f32
    %broadcast_in_dim3A_453 = vector.broadcast %jit3A_452 : f32 to vector<256x128xf32>
    %select_n3A_454 = arith.select %lt3A_450, %broadcast_in_dim3A_453, %select_n3A_443 : vector<256x128xi1>, vector<256x128xf32>
    %slice3A_455 = vector.extract_strided_slice %dot_general3A_20 {offsets = [256, 768], sizes = [256, 128], strides = [1, 1]} : vector<1024x4096xf32> to vector<256x128xf32>
    %sub3A_456 = vector.broadcast %slice3A_391 : vector<256x1xf32> to vector<256x128xf32>
    %sub3A_457 = arith.subf %sub3A_456, %slice3A_455 : vector<256x128xf32>
    %slice3A_458 = vector.extract_strided_slice %get3A_23 {offsets = [0, 768], sizes = [1, 128], strides = [1, 1]} : vector<1x4096xf32> to vector<1x128xf32>
    %add3A_459 = vector.broadcast %slice3A_458 : vector<1x128xf32> to vector<256x128xf32>
    %add3A_460 = arith.addf %sub3A_457, %add3A_459 : vector<256x128xf32>
    %lt3A_461 = arith.cmpf olt, %add3A_460, %select_n3A_451 : vector<256x128xf32>
    %select_n3A_462 = arith.select %lt3A_461, %add3A_460, %select_n3A_451 : vector<256x128xi1>, vector<256x128xf32>
    %jit3A_463 = arith.constant 6.000000e+00 : f32
    %broadcast_in_dim3A_464 = vector.broadcast %jit3A_463 : f32 to vector<256x128xf32>
    %select_n3A_465 = arith.select %lt3A_461, %broadcast_in_dim3A_464, %select_n3A_454 : vector<256x128xi1>, vector<256x128xf32>
    %slice3A_466 = vector.extract_strided_slice %dot_general3A_20 {offsets = [256, 896], sizes = [256, 128], strides = [1, 1]} : vector<1024x4096xf32> to vector<256x128xf32>
    %sub3A_467 = vector.broadcast %slice3A_391 : vector<256x1xf32> to vector<256x128xf32>
    %sub3A_468 = arith.subf %sub3A_467, %slice3A_466 : vector<256x128xf32>
    %slice3A_469 = vector.extract_strided_slice %get3A_23 {offsets = [0, 896], sizes = [1, 128], strides = [1, 1]} : vector<1x4096xf32> to vector<1x128xf32>
    %add3A_470 = vector.broadcast %slice3A_469 : vector<1x128xf32> to vector<256x128xf32>
    %add3A_471 = arith.addf %sub3A_468, %add3A_470 : vector<256x128xf32>
    %lt3A_472 = arith.cmpf olt, %add3A_471, %select_n3A_462 : vector<256x128xf32>
    %select_n3A_473 = arith.select %lt3A_472, %add3A_471, %select_n3A_462 : vector<256x128xi1>, vector<256x128xf32>
    %jit3A_474 = arith.constant 7.000000e+00 : f32
    %broadcast_in_dim3A_475 = vector.broadcast %jit3A_474 : f32 to vector<256x128xf32>
    %select_n3A_476 = arith.select %lt3A_472, %broadcast_in_dim3A_475, %select_n3A_465 : vector<256x128xi1>, vector<256x128xf32>
    %slice3A_477 = vector.extract_strided_slice %dot_general3A_20 {offsets = [256, 1024], sizes = [256, 128], strides = [1, 1]} : vector<1024x4096xf32> to vector<256x128xf32>
    %sub3A_478 = vector.broadcast %slice3A_391 : vector<256x1xf32> to vector<256x128xf32>
    %sub3A_479 = arith.subf %sub3A_478, %slice3A_477 : vector<256x128xf32>
    %slice3A_480 = vector.extract_strided_slice %get3A_23 {offsets = [0, 1024], sizes = [1, 128], strides = [1, 1]} : vector<1x4096xf32> to vector<1x128xf32>
    %add3A_481 = vector.broadcast %slice3A_480 : vector<1x128xf32> to vector<256x128xf32>
    %add3A_482 = arith.addf %sub3A_479, %add3A_481 : vector<256x128xf32>
    %lt3A_483 = arith.cmpf olt, %add3A_482, %select_n3A_473 : vector<256x128xf32>
    %select_n3A_484 = arith.select %lt3A_483, %add3A_482, %select_n3A_473 : vector<256x128xi1>, vector<256x128xf32>
    %jit3A_485 = arith.constant 8.000000e+00 : f32
    %broadcast_in_dim3A_486 = vector.broadcast %jit3A_485 : f32 to vector<256x128xf32>
    %select_n3A_487 = arith.select %lt3A_483, %broadcast_in_dim3A_486, %select_n3A_476 : vector<256x128xi1>, vector<256x128xf32>
    %slice3A_488 = vector.extract_strided_slice %dot_general3A_20 {offsets = [256, 1152], sizes = [256, 128], strides = [1, 1]} : vector<1024x4096xf32> to vector<256x128xf32>
    %sub3A_489 = vector.broadcast %slice3A_391 : vector<256x1xf32> to vector<256x128xf32>
    %sub3A_490 = arith.subf %sub3A_489, %slice3A_488 : vector<256x128xf32>
    %slice3A_491 = vector.extract_strided_slice %get3A_23 {offsets = [0, 1152], sizes = [1, 128], strides = [1, 1]} : vector<1x4096xf32> to vector<1x128xf32>
    %add3A_492 = vector.broadcast %slice3A_491 : vector<1x128xf32> to vector<256x128xf32>
    %add3A_493 = arith.addf %sub3A_490, %add3A_492 : vector<256x128xf32>
    %lt3A_494 = arith.cmpf olt, %add3A_493, %select_n3A_484 : vector<256x128xf32>
    %select_n3A_495 = arith.select %lt3A_494, %add3A_493, %select_n3A_484 : vector<256x128xi1>, vector<256x128xf32>
    %jit3A_496 = arith.constant 9.000000e+00 : f32
    %broadcast_in_dim3A_497 = vector.broadcast %jit3A_496 : f32 to vector<256x128xf32>
    %select_n3A_498 = arith.select %lt3A_494, %broadcast_in_dim3A_497, %select_n3A_487 : vector<256x128xi1>, vector<256x128xf32>
    %slice3A_499 = vector.extract_strided_slice %dot_general3A_20 {offsets = [256, 1280], sizes = [256, 128], strides = [1, 1]} : vector<1024x4096xf32> to vector<256x128xf32>
    %sub3A_500 = vector.broadcast %slice3A_391 : vector<256x1xf32> to vector<256x128xf32>
    %sub3A_501 = arith.subf %sub3A_500, %slice3A_499 : vector<256x128xf32>
    %slice3A_502 = vector.extract_strided_slice %get3A_23 {offsets = [0, 1280], sizes = [1, 128], strides = [1, 1]} : vector<1x4096xf32> to vector<1x128xf32>
    %add3A_503 = vector.broadcast %slice3A_502 : vector<1x128xf32> to vector<256x128xf32>
    %add3A_504 = arith.addf %sub3A_501, %add3A_503 : vector<256x128xf32>
    %lt3A_505 = arith.cmpf olt, %add3A_504, %select_n3A_495 : vector<256x128xf32>
    %select_n3A_506 = arith.select %lt3A_505, %add3A_504, %select_n3A_495 : vector<256x128xi1>, vector<256x128xf32>
    %jit3A_507 = arith.constant 1.000000e+01 : f32
    %broadcast_in_dim3A_508 = vector.broadcast %jit3A_507 : f32 to vector<256x128xf32>
    %select_n3A_509 = arith.select %lt3A_505, %broadcast_in_dim3A_508, %select_n3A_498 : vector<256x128xi1>, vector<256x128xf32>
    %slice3A_510 = vector.extract_strided_slice %dot_general3A_20 {offsets = [256, 1408], sizes = [256, 128], strides = [1, 1]} : vector<1024x4096xf32> to vector<256x128xf32>
    %sub3A_511 = vector.broadcast %slice3A_391 : vector<256x1xf32> to vector<256x128xf32>
    %sub3A_512 = arith.subf %sub3A_511, %slice3A_510 : vector<256x128xf32>
    %slice3A_513 = vector.extract_strided_slice %get3A_23 {offsets = [0, 1408], sizes = [1, 128], strides = [1, 1]} : vector<1x4096xf32> to vector<1x128xf32>
    %add3A_514 = vector.broadcast %slice3A_513 : vector<1x128xf32> to vector<256x128xf32>
    %add3A_515 = arith.addf %sub3A_512, %add3A_514 : vector<256x128xf32>
    %lt3A_516 = arith.cmpf olt, %add3A_515, %select_n3A_506 : vector<256x128xf32>
    %select_n3A_517 = arith.select %lt3A_516, %add3A_515, %select_n3A_506 : vector<256x128xi1>, vector<256x128xf32>
    %jit3A_518 = arith.constant 1.100000e+01 : f32
    %broadcast_in_dim3A_519 = vector.broadcast %jit3A_518 : f32 to vector<256x128xf32>
    %select_n3A_520 = arith.select %lt3A_516, %broadcast_in_dim3A_519, %select_n3A_509 : vector<256x128xi1>, vector<256x128xf32>
    %slice3A_521 = vector.extract_strided_slice %dot_general3A_20 {offsets = [256, 1536], sizes = [256, 128], strides = [1, 1]} : vector<1024x4096xf32> to vector<256x128xf32>
    %sub3A_522 = vector.broadcast %slice3A_391 : vector<256x1xf32> to vector<256x128xf32>
    %sub3A_523 = arith.subf %sub3A_522, %slice3A_521 : vector<256x128xf32>
    %slice3A_524 = vector.extract_strided_slice %get3A_23 {offsets = [0, 1536], sizes = [1, 128], strides = [1, 1]} : vector<1x4096xf32> to vector<1x128xf32>
    %add3A_525 = vector.broadcast %slice3A_524 : vector<1x128xf32> to vector<256x128xf32>
    %add3A_526 = arith.addf %sub3A_523, %add3A_525 : vector<256x128xf32>
    %lt3A_527 = arith.cmpf olt, %add3A_526, %select_n3A_517 : vector<256x128xf32>
    %select_n3A_528 = arith.select %lt3A_527, %add3A_526, %select_n3A_517 : vector<256x128xi1>, vector<256x128xf32>
    %jit3A_529 = arith.constant 1.200000e+01 : f32
    %broadcast_in_dim3A_530 = vector.broadcast %jit3A_529 : f32 to vector<256x128xf32>
    %select_n3A_531 = arith.select %lt3A_527, %broadcast_in_dim3A_530, %select_n3A_520 : vector<256x128xi1>, vector<256x128xf32>
    %slice3A_532 = vector.extract_strided_slice %dot_general3A_20 {offsets = [256, 1664], sizes = [256, 128], strides = [1, 1]} : vector<1024x4096xf32> to vector<256x128xf32>
    %sub3A_533 = vector.broadcast %slice3A_391 : vector<256x1xf32> to vector<256x128xf32>
    %sub3A_534 = arith.subf %sub3A_533, %slice3A_532 : vector<256x128xf32>
    %slice3A_535 = vector.extract_strided_slice %get3A_23 {offsets = [0, 1664], sizes = [1, 128], strides = [1, 1]} : vector<1x4096xf32> to vector<1x128xf32>
    %add3A_536 = vector.broadcast %slice3A_535 : vector<1x128xf32> to vector<256x128xf32>
    %add3A_537 = arith.addf %sub3A_534, %add3A_536 : vector<256x128xf32>
    %lt3A_538 = arith.cmpf olt, %add3A_537, %select_n3A_528 : vector<256x128xf32>
    %select_n3A_539 = arith.select %lt3A_538, %add3A_537, %select_n3A_528 : vector<256x128xi1>, vector<256x128xf32>
    %jit3A_540 = arith.constant 1.300000e+01 : f32
    %broadcast_in_dim3A_541 = vector.broadcast %jit3A_540 : f32 to vector<256x128xf32>
    %select_n3A_542 = arith.select %lt3A_538, %broadcast_in_dim3A_541, %select_n3A_531 : vector<256x128xi1>, vector<256x128xf32>
    %slice3A_543 = vector.extract_strided_slice %dot_general3A_20 {offsets = [256, 1792], sizes = [256, 128], strides = [1, 1]} : vector<1024x4096xf32> to vector<256x128xf32>
    %sub3A_544 = vector.broadcast %slice3A_391 : vector<256x1xf32> to vector<256x128xf32>
    %sub3A_545 = arith.subf %sub3A_544, %slice3A_543 : vector<256x128xf32>
    %slice3A_546 = vector.extract_strided_slice %get3A_23 {offsets = [0, 1792], sizes = [1, 128], strides = [1, 1]} : vector<1x4096xf32> to vector<1x128xf32>
    %add3A_547 = vector.broadcast %slice3A_546 : vector<1x128xf32> to vector<256x128xf32>
    %add3A_548 = arith.addf %sub3A_545, %add3A_547 : vector<256x128xf32>
    %lt3A_549 = arith.cmpf olt, %add3A_548, %select_n3A_539 : vector<256x128xf32>
    %select_n3A_550 = arith.select %lt3A_549, %add3A_548, %select_n3A_539 : vector<256x128xi1>, vector<256x128xf32>
    %jit3A_551 = arith.constant 1.400000e+01 : f32
    %broadcast_in_dim3A_552 = vector.broadcast %jit3A_551 : f32 to vector<256x128xf32>
    %select_n3A_553 = arith.select %lt3A_549, %broadcast_in_dim3A_552, %select_n3A_542 : vector<256x128xi1>, vector<256x128xf32>
    %slice3A_554 = vector.extract_strided_slice %dot_general3A_20 {offsets = [256, 1920], sizes = [256, 128], strides = [1, 1]} : vector<1024x4096xf32> to vector<256x128xf32>
    %sub3A_555 = vector.broadcast %slice3A_391 : vector<256x1xf32> to vector<256x128xf32>
    %sub3A_556 = arith.subf %sub3A_555, %slice3A_554 : vector<256x128xf32>
    %slice3A_557 = vector.extract_strided_slice %get3A_23 {offsets = [0, 1920], sizes = [1, 128], strides = [1, 1]} : vector<1x4096xf32> to vector<1x128xf32>
    %add3A_558 = vector.broadcast %slice3A_557 : vector<1x128xf32> to vector<256x128xf32>
    %add3A_559 = arith.addf %sub3A_556, %add3A_558 : vector<256x128xf32>
    %lt3A_560 = arith.cmpf olt, %add3A_559, %select_n3A_550 : vector<256x128xf32>
    %select_n3A_561 = arith.select %lt3A_560, %add3A_559, %select_n3A_550 : vector<256x128xi1>, vector<256x128xf32>
    %jit3A_562 = arith.constant 1.500000e+01 : f32
    %broadcast_in_dim3A_563 = vector.broadcast %jit3A_562 : f32 to vector<256x128xf32>
    %select_n3A_564 = arith.select %lt3A_560, %broadcast_in_dim3A_563, %select_n3A_553 : vector<256x128xi1>, vector<256x128xf32>
    %slice3A_565 = vector.extract_strided_slice %dot_general3A_20 {offsets = [256, 2048], sizes = [256, 128], strides = [1, 1]} : vector<1024x4096xf32> to vector<256x128xf32>
    %sub3A_566 = vector.broadcast %slice3A_391 : vector<256x1xf32> to vector<256x128xf32>
    %sub3A_567 = arith.subf %sub3A_566, %slice3A_565 : vector<256x128xf32>
    %slice3A_568 = vector.extract_strided_slice %get3A_23 {offsets = [0, 2048], sizes = [1, 128], strides = [1, 1]} : vector<1x4096xf32> to vector<1x128xf32>
    %add3A_569 = vector.broadcast %slice3A_568 : vector<1x128xf32> to vector<256x128xf32>
    %add3A_570 = arith.addf %sub3A_567, %add3A_569 : vector<256x128xf32>
    %lt3A_571 = arith.cmpf olt, %add3A_570, %select_n3A_561 : vector<256x128xf32>
    %select_n3A_572 = arith.select %lt3A_571, %add3A_570, %select_n3A_561 : vector<256x128xi1>, vector<256x128xf32>
    %jit3A_573 = arith.constant 1.600000e+01 : f32
    %broadcast_in_dim3A_574 = vector.broadcast %jit3A_573 : f32 to vector<256x128xf32>
    %select_n3A_575 = arith.select %lt3A_571, %broadcast_in_dim3A_574, %select_n3A_564 : vector<256x128xi1>, vector<256x128xf32>
    %slice3A_576 = vector.extract_strided_slice %dot_general3A_20 {offsets = [256, 2176], sizes = [256, 128], strides = [1, 1]} : vector<1024x4096xf32> to vector<256x128xf32>
    %sub3A_577 = vector.broadcast %slice3A_391 : vector<256x1xf32> to vector<256x128xf32>
    %sub3A_578 = arith.subf %sub3A_577, %slice3A_576 : vector<256x128xf32>
    %slice3A_579 = vector.extract_strided_slice %get3A_23 {offsets = [0, 2176], sizes = [1, 128], strides = [1, 1]} : vector<1x4096xf32> to vector<1x128xf32>
    %add3A_580 = vector.broadcast %slice3A_579 : vector<1x128xf32> to vector<256x128xf32>
    %add3A_581 = arith.addf %sub3A_578, %add3A_580 : vector<256x128xf32>
    %lt3A_582 = arith.cmpf olt, %add3A_581, %select_n3A_572 : vector<256x128xf32>
    %select_n3A_583 = arith.select %lt3A_582, %add3A_581, %select_n3A_572 : vector<256x128xi1>, vector<256x128xf32>
    %jit3A_584 = arith.constant 1.700000e+01 : f32
    %broadcast_in_dim3A_585 = vector.broadcast %jit3A_584 : f32 to vector<256x128xf32>
    %select_n3A_586 = arith.select %lt3A_582, %broadcast_in_dim3A_585, %select_n3A_575 : vector<256x128xi1>, vector<256x128xf32>
    %slice3A_587 = vector.extract_strided_slice %dot_general3A_20 {offsets = [256, 2304], sizes = [256, 128], strides = [1, 1]} : vector<1024x4096xf32> to vector<256x128xf32>
    %sub3A_588 = vector.broadcast %slice3A_391 : vector<256x1xf32> to vector<256x128xf32>
    %sub3A_589 = arith.subf %sub3A_588, %slice3A_587 : vector<256x128xf32>
    %slice3A_590 = vector.extract_strided_slice %get3A_23 {offsets = [0, 2304], sizes = [1, 128], strides = [1, 1]} : vector<1x4096xf32> to vector<1x128xf32>
    %add3A_591 = vector.broadcast %slice3A_590 : vector<1x128xf32> to vector<256x128xf32>
    %add3A_592 = arith.addf %sub3A_589, %add3A_591 : vector<256x128xf32>
    %lt3A_593 = arith.cmpf olt, %add3A_592, %select_n3A_583 : vector<256x128xf32>
    %select_n3A_594 = arith.select %lt3A_593, %add3A_592, %select_n3A_583 : vector<256x128xi1>, vector<256x128xf32>
    %jit3A_595 = arith.constant 1.800000e+01 : f32
    %broadcast_in_dim3A_596 = vector.broadcast %jit3A_595 : f32 to vector<256x128xf32>
    %select_n3A_597 = arith.select %lt3A_593, %broadcast_in_dim3A_596, %select_n3A_586 : vector<256x128xi1>, vector<256x128xf32>
    %slice3A_598 = vector.extract_strided_slice %dot_general3A_20 {offsets = [256, 2432], sizes = [256, 128], strides = [1, 1]} : vector<1024x4096xf32> to vector<256x128xf32>
    %sub3A_599 = vector.broadcast %slice3A_391 : vector<256x1xf32> to vector<256x128xf32>
    %sub3A_600 = arith.subf %sub3A_599, %slice3A_598 : vector<256x128xf32>
    %slice3A_601 = vector.extract_strided_slice %get3A_23 {offsets = [0, 2432], sizes = [1, 128], strides = [1, 1]} : vector<1x4096xf32> to vector<1x128xf32>
    %add3A_602 = vector.broadcast %slice3A_601 : vector<1x128xf32> to vector<256x128xf32>
    %add3A_603 = arith.addf %sub3A_600, %add3A_602 : vector<256x128xf32>
    %lt3A_604 = arith.cmpf olt, %add3A_603, %select_n3A_594 : vector<256x128xf32>
    %select_n3A_605 = arith.select %lt3A_604, %add3A_603, %select_n3A_594 : vector<256x128xi1>, vector<256x128xf32>
    %jit3A_606 = arith.constant 1.900000e+01 : f32
    %broadcast_in_dim3A_607 = vector.broadcast %jit3A_606 : f32 to vector<256x128xf32>
    %select_n3A_608 = arith.select %lt3A_604, %broadcast_in_dim3A_607, %select_n3A_597 : vector<256x128xi1>, vector<256x128xf32>
    %slice3A_609 = vector.extract_strided_slice %dot_general3A_20 {offsets = [256, 2560], sizes = [256, 128], strides = [1, 1]} : vector<1024x4096xf32> to vector<256x128xf32>
    %sub3A_610 = vector.broadcast %slice3A_391 : vector<256x1xf32> to vector<256x128xf32>
    %sub3A_611 = arith.subf %sub3A_610, %slice3A_609 : vector<256x128xf32>
    %slice3A_612 = vector.extract_strided_slice %get3A_23 {offsets = [0, 2560], sizes = [1, 128], strides = [1, 1]} : vector<1x4096xf32> to vector<1x128xf32>
    %add3A_613 = vector.broadcast %slice3A_612 : vector<1x128xf32> to vector<256x128xf32>
    %add3A_614 = arith.addf %sub3A_611, %add3A_613 : vector<256x128xf32>
    %lt3A_615 = arith.cmpf olt, %add3A_614, %select_n3A_605 : vector<256x128xf32>
    %select_n3A_616 = arith.select %lt3A_615, %add3A_614, %select_n3A_605 : vector<256x128xi1>, vector<256x128xf32>
    %jit3A_617 = arith.constant 2.000000e+01 : f32
    %broadcast_in_dim3A_618 = vector.broadcast %jit3A_617 : f32 to vector<256x128xf32>
    %select_n3A_619 = arith.select %lt3A_615, %broadcast_in_dim3A_618, %select_n3A_608 : vector<256x128xi1>, vector<256x128xf32>
    %slice3A_620 = vector.extract_strided_slice %dot_general3A_20 {offsets = [256, 2688], sizes = [256, 128], strides = [1, 1]} : vector<1024x4096xf32> to vector<256x128xf32>
    %sub3A_621 = vector.broadcast %slice3A_391 : vector<256x1xf32> to vector<256x128xf32>
    %sub3A_622 = arith.subf %sub3A_621, %slice3A_620 : vector<256x128xf32>
    %slice3A_623 = vector.extract_strided_slice %get3A_23 {offsets = [0, 2688], sizes = [1, 128], strides = [1, 1]} : vector<1x4096xf32> to vector<1x128xf32>
    %add3A_624 = vector.broadcast %slice3A_623 : vector<1x128xf32> to vector<256x128xf32>
    %add3A_625 = arith.addf %sub3A_622, %add3A_624 : vector<256x128xf32>
    %lt3A_626 = arith.cmpf olt, %add3A_625, %select_n3A_616 : vector<256x128xf32>
    %select_n3A_627 = arith.select %lt3A_626, %add3A_625, %select_n3A_616 : vector<256x128xi1>, vector<256x128xf32>
    %jit3A_628 = arith.constant 2.100000e+01 : f32
    %broadcast_in_dim3A_629 = vector.broadcast %jit3A_628 : f32 to vector<256x128xf32>
    %select_n3A_630 = arith.select %lt3A_626, %broadcast_in_dim3A_629, %select_n3A_619 : vector<256x128xi1>, vector<256x128xf32>
    %slice3A_631 = vector.extract_strided_slice %dot_general3A_20 {offsets = [256, 2816], sizes = [256, 128], strides = [1, 1]} : vector<1024x4096xf32> to vector<256x128xf32>
    %sub3A_632 = vector.broadcast %slice3A_391 : vector<256x1xf32> to vector<256x128xf32>
    %sub3A_633 = arith.subf %sub3A_632, %slice3A_631 : vector<256x128xf32>
    %slice3A_634 = vector.extract_strided_slice %get3A_23 {offsets = [0, 2816], sizes = [1, 128], strides = [1, 1]} : vector<1x4096xf32> to vector<1x128xf32>
    %add3A_635 = vector.broadcast %slice3A_634 : vector<1x128xf32> to vector<256x128xf32>
    %add3A_636 = arith.addf %sub3A_633, %add3A_635 : vector<256x128xf32>
    %lt3A_637 = arith.cmpf olt, %add3A_636, %select_n3A_627 : vector<256x128xf32>
    %select_n3A_638 = arith.select %lt3A_637, %add3A_636, %select_n3A_627 : vector<256x128xi1>, vector<256x128xf32>
    %jit3A_639 = arith.constant 2.200000e+01 : f32
    %broadcast_in_dim3A_640 = vector.broadcast %jit3A_639 : f32 to vector<256x128xf32>
    %select_n3A_641 = arith.select %lt3A_637, %broadcast_in_dim3A_640, %select_n3A_630 : vector<256x128xi1>, vector<256x128xf32>
    %slice3A_642 = vector.extract_strided_slice %dot_general3A_20 {offsets = [256, 2944], sizes = [256, 128], strides = [1, 1]} : vector<1024x4096xf32> to vector<256x128xf32>
    %sub3A_643 = vector.broadcast %slice3A_391 : vector<256x1xf32> to vector<256x128xf32>
    %sub3A_644 = arith.subf %sub3A_643, %slice3A_642 : vector<256x128xf32>
    %slice3A_645 = vector.extract_strided_slice %get3A_23 {offsets = [0, 2944], sizes = [1, 128], strides = [1, 1]} : vector<1x4096xf32> to vector<1x128xf32>
    %add3A_646 = vector.broadcast %slice3A_645 : vector<1x128xf32> to vector<256x128xf32>
    %add3A_647 = arith.addf %sub3A_644, %add3A_646 : vector<256x128xf32>
    %lt3A_648 = arith.cmpf olt, %add3A_647, %select_n3A_638 : vector<256x128xf32>
    %select_n3A_649 = arith.select %lt3A_648, %add3A_647, %select_n3A_638 : vector<256x128xi1>, vector<256x128xf32>
    %jit3A_650 = arith.constant 2.300000e+01 : f32
    %broadcast_in_dim3A_651 = vector.broadcast %jit3A_650 : f32 to vector<256x128xf32>
    %select_n3A_652 = arith.select %lt3A_648, %broadcast_in_dim3A_651, %select_n3A_641 : vector<256x128xi1>, vector<256x128xf32>
    %slice3A_653 = vector.extract_strided_slice %dot_general3A_20 {offsets = [256, 3072], sizes = [256, 128], strides = [1, 1]} : vector<1024x4096xf32> to vector<256x128xf32>
    %sub3A_654 = vector.broadcast %slice3A_391 : vector<256x1xf32> to vector<256x128xf32>
    %sub3A_655 = arith.subf %sub3A_654, %slice3A_653 : vector<256x128xf32>
    %slice3A_656 = vector.extract_strided_slice %get3A_23 {offsets = [0, 3072], sizes = [1, 128], strides = [1, 1]} : vector<1x4096xf32> to vector<1x128xf32>
    %add3A_657 = vector.broadcast %slice3A_656 : vector<1x128xf32> to vector<256x128xf32>
    %add3A_658 = arith.addf %sub3A_655, %add3A_657 : vector<256x128xf32>
    %lt3A_659 = arith.cmpf olt, %add3A_658, %select_n3A_649 : vector<256x128xf32>
    %select_n3A_660 = arith.select %lt3A_659, %add3A_658, %select_n3A_649 : vector<256x128xi1>, vector<256x128xf32>
    %jit3A_661 = arith.constant 2.400000e+01 : f32
    %broadcast_in_dim3A_662 = vector.broadcast %jit3A_661 : f32 to vector<256x128xf32>
    %select_n3A_663 = arith.select %lt3A_659, %broadcast_in_dim3A_662, %select_n3A_652 : vector<256x128xi1>, vector<256x128xf32>
    %slice3A_664 = vector.extract_strided_slice %dot_general3A_20 {offsets = [256, 3200], sizes = [256, 128], strides = [1, 1]} : vector<1024x4096xf32> to vector<256x128xf32>
    %sub3A_665 = vector.broadcast %slice3A_391 : vector<256x1xf32> to vector<256x128xf32>
    %sub3A_666 = arith.subf %sub3A_665, %slice3A_664 : vector<256x128xf32>
    %slice3A_667 = vector.extract_strided_slice %get3A_23 {offsets = [0, 3200], sizes = [1, 128], strides = [1, 1]} : vector<1x4096xf32> to vector<1x128xf32>
    %add3A_668 = vector.broadcast %slice3A_667 : vector<1x128xf32> to vector<256x128xf32>
    %add3A_669 = arith.addf %sub3A_666, %add3A_668 : vector<256x128xf32>
    %lt3A_670 = arith.cmpf olt, %add3A_669, %select_n3A_660 : vector<256x128xf32>
    %select_n3A_671 = arith.select %lt3A_670, %add3A_669, %select_n3A_660 : vector<256x128xi1>, vector<256x128xf32>
    %jit3A_672 = arith.constant 2.500000e+01 : f32
    %broadcast_in_dim3A_673 = vector.broadcast %jit3A_672 : f32 to vector<256x128xf32>
    %select_n3A_674 = arith.select %lt3A_670, %broadcast_in_dim3A_673, %select_n3A_663 : vector<256x128xi1>, vector<256x128xf32>
    %slice3A_675 = vector.extract_strided_slice %dot_general3A_20 {offsets = [256, 3328], sizes = [256, 128], strides = [1, 1]} : vector<1024x4096xf32> to vector<256x128xf32>
    %sub3A_676 = vector.broadcast %slice3A_391 : vector<256x1xf32> to vector<256x128xf32>
    %sub3A_677 = arith.subf %sub3A_676, %slice3A_675 : vector<256x128xf32>
    %slice3A_678 = vector.extract_strided_slice %get3A_23 {offsets = [0, 3328], sizes = [1, 128], strides = [1, 1]} : vector<1x4096xf32> to vector<1x128xf32>
    %add3A_679 = vector.broadcast %slice3A_678 : vector<1x128xf32> to vector<256x128xf32>
    %add3A_680 = arith.addf %sub3A_677, %add3A_679 : vector<256x128xf32>
    %lt3A_681 = arith.cmpf olt, %add3A_680, %select_n3A_671 : vector<256x128xf32>
    %select_n3A_682 = arith.select %lt3A_681, %add3A_680, %select_n3A_671 : vector<256x128xi1>, vector<256x128xf32>
    %jit3A_683 = arith.constant 2.600000e+01 : f32
    %broadcast_in_dim3A_684 = vector.broadcast %jit3A_683 : f32 to vector<256x128xf32>
    %select_n3A_685 = arith.select %lt3A_681, %broadcast_in_dim3A_684, %select_n3A_674 : vector<256x128xi1>, vector<256x128xf32>
    %slice3A_686 = vector.extract_strided_slice %dot_general3A_20 {offsets = [256, 3456], sizes = [256, 128], strides = [1, 1]} : vector<1024x4096xf32> to vector<256x128xf32>
    %sub3A_687 = vector.broadcast %slice3A_391 : vector<256x1xf32> to vector<256x128xf32>
    %sub3A_688 = arith.subf %sub3A_687, %slice3A_686 : vector<256x128xf32>
    %slice3A_689 = vector.extract_strided_slice %get3A_23 {offsets = [0, 3456], sizes = [1, 128], strides = [1, 1]} : vector<1x4096xf32> to vector<1x128xf32>
    %add3A_690 = vector.broadcast %slice3A_689 : vector<1x128xf32> to vector<256x128xf32>
    %add3A_691 = arith.addf %sub3A_688, %add3A_690 : vector<256x128xf32>
    %lt3A_692 = arith.cmpf olt, %add3A_691, %select_n3A_682 : vector<256x128xf32>
    %select_n3A_693 = arith.select %lt3A_692, %add3A_691, %select_n3A_682 : vector<256x128xi1>, vector<256x128xf32>
    %jit3A_694 = arith.constant 2.700000e+01 : f32
    %broadcast_in_dim3A_695 = vector.broadcast %jit3A_694 : f32 to vector<256x128xf32>
    %select_n3A_696 = arith.select %lt3A_692, %broadcast_in_dim3A_695, %select_n3A_685 : vector<256x128xi1>, vector<256x128xf32>
    %slice3A_697 = vector.extract_strided_slice %dot_general3A_20 {offsets = [256, 3584], sizes = [256, 128], strides = [1, 1]} : vector<1024x4096xf32> to vector<256x128xf32>
    %sub3A_698 = vector.broadcast %slice3A_391 : vector<256x1xf32> to vector<256x128xf32>
    %sub3A_699 = arith.subf %sub3A_698, %slice3A_697 : vector<256x128xf32>
    %slice3A_700 = vector.extract_strided_slice %get3A_23 {offsets = [0, 3584], sizes = [1, 128], strides = [1, 1]} : vector<1x4096xf32> to vector<1x128xf32>
    %add3A_701 = vector.broadcast %slice3A_700 : vector<1x128xf32> to vector<256x128xf32>
    %add3A_702 = arith.addf %sub3A_699, %add3A_701 : vector<256x128xf32>
    %lt3A_703 = arith.cmpf olt, %add3A_702, %select_n3A_693 : vector<256x128xf32>
    %select_n3A_704 = arith.select %lt3A_703, %add3A_702, %select_n3A_693 : vector<256x128xi1>, vector<256x128xf32>
    %jit3A_705 = arith.constant 2.800000e+01 : f32
    %broadcast_in_dim3A_706 = vector.broadcast %jit3A_705 : f32 to vector<256x128xf32>
    %select_n3A_707 = arith.select %lt3A_703, %broadcast_in_dim3A_706, %select_n3A_696 : vector<256x128xi1>, vector<256x128xf32>
    %slice3A_708 = vector.extract_strided_slice %dot_general3A_20 {offsets = [256, 3712], sizes = [256, 128], strides = [1, 1]} : vector<1024x4096xf32> to vector<256x128xf32>
    %sub3A_709 = vector.broadcast %slice3A_391 : vector<256x1xf32> to vector<256x128xf32>
    %sub3A_710 = arith.subf %sub3A_709, %slice3A_708 : vector<256x128xf32>
    %slice3A_711 = vector.extract_strided_slice %get3A_23 {offsets = [0, 3712], sizes = [1, 128], strides = [1, 1]} : vector<1x4096xf32> to vector<1x128xf32>
    %add3A_712 = vector.broadcast %slice3A_711 : vector<1x128xf32> to vector<256x128xf32>
    %add3A_713 = arith.addf %sub3A_710, %add3A_712 : vector<256x128xf32>
    %lt3A_714 = arith.cmpf olt, %add3A_713, %select_n3A_704 : vector<256x128xf32>
    %select_n3A_715 = arith.select %lt3A_714, %add3A_713, %select_n3A_704 : vector<256x128xi1>, vector<256x128xf32>
    %jit3A_716 = arith.constant 2.900000e+01 : f32
    %broadcast_in_dim3A_717 = vector.broadcast %jit3A_716 : f32 to vector<256x128xf32>
    %select_n3A_718 = arith.select %lt3A_714, %broadcast_in_dim3A_717, %select_n3A_707 : vector<256x128xi1>, vector<256x128xf32>
    %slice3A_719 = vector.extract_strided_slice %dot_general3A_20 {offsets = [256, 3840], sizes = [256, 128], strides = [1, 1]} : vector<1024x4096xf32> to vector<256x128xf32>
    %sub3A_720 = vector.broadcast %slice3A_391 : vector<256x1xf32> to vector<256x128xf32>
    %sub3A_721 = arith.subf %sub3A_720, %slice3A_719 : vector<256x128xf32>
    %slice3A_722 = vector.extract_strided_slice %get3A_23 {offsets = [0, 3840], sizes = [1, 128], strides = [1, 1]} : vector<1x4096xf32> to vector<1x128xf32>
    %add3A_723 = vector.broadcast %slice3A_722 : vector<1x128xf32> to vector<256x128xf32>
    %add3A_724 = arith.addf %sub3A_721, %add3A_723 : vector<256x128xf32>
    %lt3A_725 = arith.cmpf olt, %add3A_724, %select_n3A_715 : vector<256x128xf32>
    %select_n3A_726 = arith.select %lt3A_725, %add3A_724, %select_n3A_715 : vector<256x128xi1>, vector<256x128xf32>
    %jit3A_727 = arith.constant 3.000000e+01 : f32
    %broadcast_in_dim3A_728 = vector.broadcast %jit3A_727 : f32 to vector<256x128xf32>
    %select_n3A_729 = arith.select %lt3A_725, %broadcast_in_dim3A_728, %select_n3A_718 : vector<256x128xi1>, vector<256x128xf32>
    %slice3A_730 = vector.extract_strided_slice %dot_general3A_20 {offsets = [256, 3968], sizes = [256, 128], strides = [1, 1]} : vector<1024x4096xf32> to vector<256x128xf32>
    %sub3A_731 = vector.broadcast %slice3A_391 : vector<256x1xf32> to vector<256x128xf32>
    %sub3A_732 = arith.subf %sub3A_731, %slice3A_730 : vector<256x128xf32>
    %slice3A_733 = vector.extract_strided_slice %get3A_23 {offsets = [0, 3968], sizes = [1, 128], strides = [1, 1]} : vector<1x4096xf32> to vector<1x128xf32>
    %add3A_734 = vector.broadcast %slice3A_733 : vector<1x128xf32> to vector<256x128xf32>
    %add3A_735 = arith.addf %sub3A_732, %add3A_734 : vector<256x128xf32>
    %lt3A_736 = arith.cmpf olt, %add3A_735, %select_n3A_726 : vector<256x128xf32>
    %select_n3A_737 = arith.select %lt3A_736, %add3A_735, %select_n3A_726 : vector<256x128xi1>, vector<256x128xf32>
    %jit3A_738 = arith.constant 3.100000e+01 : f32
    %broadcast_in_dim3A_739 = vector.broadcast %jit3A_738 : f32 to vector<256x128xf32>
    %select_n3A_740 = arith.select %lt3A_736, %broadcast_in_dim3A_739, %select_n3A_729 : vector<256x128xi1>, vector<256x128xf32>
    %reduce_min3A_741 = arith.constant dense<0x7F800000> : vector<256xf32>
    %reduce_min3A_742 = vector.multi_reduction <minimumf>, %select_n3A_737, %reduce_min3A_741 [1] : vector<256x128xf32> to vector<256xf32>
    %broadcast_in_dim3A_743 = vector.shape_cast %reduce_min3A_742 : vector<256xf32> to vector<256x1xf32>
    %mul3A_744 = arith.constant 1.280000e+02 : f32
    %mul3A_745 = vector.broadcast %mul3A_744 : f32 to vector<256x128xf32>
    %mul3A_746 = arith.mulf %select_n3A_740, %mul3A_745 : vector<256x128xf32>
    %add3A_747 = arith.addf %mul3A_746, %convert_element_type3A_25 : vector<256x128xf32>
    %eq3A_748 = vector.broadcast %broadcast_in_dim3A_743 : vector<256x1xf32> to vector<256x128xf32>
    %eq3A_749 = arith.cmpf oeq, %select_n3A_737, %eq3A_748 : vector<256x128xf32>
    %jit3A_750 = arith.constant 4.096000e+03 : f32
    %broadcast_in_dim3A_751 = vector.broadcast %jit3A_750 : f32 to vector<256x128xf32>
    %select_n3A_752 = arith.select %eq3A_749, %add3A_747, %broadcast_in_dim3A_751 : vector<256x128xi1>, vector<256x128xf32>
    %reduce_min3A_753 = arith.constant dense<0x7F800000> : vector<256xf32>
    %reduce_min3A_754 = vector.multi_reduction <minimumf>, %select_n3A_752, %reduce_min3A_753 [1] : vector<256x128xf32> to vector<256xf32>
    %convert_element_type3A_755 = arith.fptosi %reduce_min3A_754 : vector<256xf32> to vector<256xi32>
    %reshape3A_756 = vector.shape_cast %convert_element_type3A_755 : vector<256xi32> to vector<1x256xi32>
    %reduce_sum3A_757 = vector.shape_cast %broadcast_in_dim3A_743 : vector<256x1xf32> to vector<1x256x1xf32>
    %reduce_sum3A_758 = arith.constant dense<0.000000e+00> : vector<1xf32>
    %reduce_sum3A_759 = vector.multi_reduction <add>, %reduce_sum3A_757, %reduce_sum3A_758 [1, 2] : vector<1x256x1xf32> to vector<1xf32>
    %reduce_sum3A_760 = vector.shape_cast %reduce_sum3A_759 : vector<1xf32> to vector<1x1x1xf32>
    %reduce_sum3A_761 = vector.extract %reduce_sum3A_760[0, 0, 0] : f32 from vector<1x1x1xf32>
    %reshape3A_762 = vector.broadcast %reduce_sum3A_761 : f32 to vector<1x1xf32>
    %add3A_763 = arith.addf %add3A_390, %reshape3A_762 : vector<1x1xf32>
    %slice3A_764 = vector.extract_strided_slice %add3A_16 {offsets = [512, 0], sizes = [256, 1], strides = [1, 1]} : vector<1024x1xf32> to vector<256x1xf32>
    %slice3A_765 = vector.extract_strided_slice %dot_general3A_20 {offsets = [512, 0], sizes = [256, 128], strides = [1, 1]} : vector<1024x4096xf32> to vector<256x128xf32>
    %sub3A_766 = vector.broadcast %slice3A_764 : vector<256x1xf32> to vector<256x128xf32>
    %sub3A_767 = arith.subf %sub3A_766, %slice3A_765 : vector<256x128xf32>
    %slice3A_768 = vector.extract_strided_slice %get3A_23 {offsets = [0, 0], sizes = [1, 128], strides = [1, 1]} : vector<1x4096xf32> to vector<1x128xf32>
    %add3A_769 = vector.broadcast %slice3A_768 : vector<1x128xf32> to vector<256x128xf32>
    %add3A_770 = arith.addf %sub3A_767, %add3A_769 : vector<256x128xf32>
    %broadcast_in_dim3A_771 = arith.constant 0.000000e+00 : f32
    %broadcast_in_dim3A_772 = vector.broadcast %broadcast_in_dim3A_771 : f32 to vector<256x128xf32>
    %slice3A_773 = vector.extract_strided_slice %dot_general3A_20 {offsets = [512, 128], sizes = [256, 128], strides = [1, 1]} : vector<1024x4096xf32> to vector<256x128xf32>
    %sub3A_774 = vector.broadcast %slice3A_764 : vector<256x1xf32> to vector<256x128xf32>
    %sub3A_775 = arith.subf %sub3A_774, %slice3A_773 : vector<256x128xf32>
    %slice3A_776 = vector.extract_strided_slice %get3A_23 {offsets = [0, 128], sizes = [1, 128], strides = [1, 1]} : vector<1x4096xf32> to vector<1x128xf32>
    %add3A_777 = vector.broadcast %slice3A_776 : vector<1x128xf32> to vector<256x128xf32>
    %add3A_778 = arith.addf %sub3A_775, %add3A_777 : vector<256x128xf32>
    %lt3A_779 = arith.cmpf olt, %add3A_778, %add3A_770 : vector<256x128xf32>
    %select_n3A_780 = arith.select %lt3A_779, %add3A_778, %add3A_770 : vector<256x128xi1>, vector<256x128xf32>
    %jit3A_781 = arith.constant 1.000000e+00 : f32
    %broadcast_in_dim3A_782 = vector.broadcast %jit3A_781 : f32 to vector<256x128xf32>
    %select_n3A_783 = arith.select %lt3A_779, %broadcast_in_dim3A_782, %broadcast_in_dim3A_772 : vector<256x128xi1>, vector<256x128xf32>
    %slice3A_784 = vector.extract_strided_slice %dot_general3A_20 {offsets = [512, 256], sizes = [256, 128], strides = [1, 1]} : vector<1024x4096xf32> to vector<256x128xf32>
    %sub3A_785 = vector.broadcast %slice3A_764 : vector<256x1xf32> to vector<256x128xf32>
    %sub3A_786 = arith.subf %sub3A_785, %slice3A_784 : vector<256x128xf32>
    %slice3A_787 = vector.extract_strided_slice %get3A_23 {offsets = [0, 256], sizes = [1, 128], strides = [1, 1]} : vector<1x4096xf32> to vector<1x128xf32>
    %add3A_788 = vector.broadcast %slice3A_787 : vector<1x128xf32> to vector<256x128xf32>
    %add3A_789 = arith.addf %sub3A_786, %add3A_788 : vector<256x128xf32>
    %lt3A_790 = arith.cmpf olt, %add3A_789, %select_n3A_780 : vector<256x128xf32>
    %select_n3A_791 = arith.select %lt3A_790, %add3A_789, %select_n3A_780 : vector<256x128xi1>, vector<256x128xf32>
    %jit3A_792 = arith.constant 2.000000e+00 : f32
    %broadcast_in_dim3A_793 = vector.broadcast %jit3A_792 : f32 to vector<256x128xf32>
    %select_n3A_794 = arith.select %lt3A_790, %broadcast_in_dim3A_793, %select_n3A_783 : vector<256x128xi1>, vector<256x128xf32>
    %slice3A_795 = vector.extract_strided_slice %dot_general3A_20 {offsets = [512, 384], sizes = [256, 128], strides = [1, 1]} : vector<1024x4096xf32> to vector<256x128xf32>
    %sub3A_796 = vector.broadcast %slice3A_764 : vector<256x1xf32> to vector<256x128xf32>
    %sub3A_797 = arith.subf %sub3A_796, %slice3A_795 : vector<256x128xf32>
    %slice3A_798 = vector.extract_strided_slice %get3A_23 {offsets = [0, 384], sizes = [1, 128], strides = [1, 1]} : vector<1x4096xf32> to vector<1x128xf32>
    %add3A_799 = vector.broadcast %slice3A_798 : vector<1x128xf32> to vector<256x128xf32>
    %add3A_800 = arith.addf %sub3A_797, %add3A_799 : vector<256x128xf32>
    %lt3A_801 = arith.cmpf olt, %add3A_800, %select_n3A_791 : vector<256x128xf32>
    %select_n3A_802 = arith.select %lt3A_801, %add3A_800, %select_n3A_791 : vector<256x128xi1>, vector<256x128xf32>
    %jit3A_803 = arith.constant 3.000000e+00 : f32
    %broadcast_in_dim3A_804 = vector.broadcast %jit3A_803 : f32 to vector<256x128xf32>
    %select_n3A_805 = arith.select %lt3A_801, %broadcast_in_dim3A_804, %select_n3A_794 : vector<256x128xi1>, vector<256x128xf32>
    %slice3A_806 = vector.extract_strided_slice %dot_general3A_20 {offsets = [512, 512], sizes = [256, 128], strides = [1, 1]} : vector<1024x4096xf32> to vector<256x128xf32>
    %sub3A_807 = vector.broadcast %slice3A_764 : vector<256x1xf32> to vector<256x128xf32>
    %sub3A_808 = arith.subf %sub3A_807, %slice3A_806 : vector<256x128xf32>
    %slice3A_809 = vector.extract_strided_slice %get3A_23 {offsets = [0, 512], sizes = [1, 128], strides = [1, 1]} : vector<1x4096xf32> to vector<1x128xf32>
    %add3A_810 = vector.broadcast %slice3A_809 : vector<1x128xf32> to vector<256x128xf32>
    %add3A_811 = arith.addf %sub3A_808, %add3A_810 : vector<256x128xf32>
    %lt3A_812 = arith.cmpf olt, %add3A_811, %select_n3A_802 : vector<256x128xf32>
    %select_n3A_813 = arith.select %lt3A_812, %add3A_811, %select_n3A_802 : vector<256x128xi1>, vector<256x128xf32>
    %jit3A_814 = arith.constant 4.000000e+00 : f32
    %broadcast_in_dim3A_815 = vector.broadcast %jit3A_814 : f32 to vector<256x128xf32>
    %select_n3A_816 = arith.select %lt3A_812, %broadcast_in_dim3A_815, %select_n3A_805 : vector<256x128xi1>, vector<256x128xf32>
    %slice3A_817 = vector.extract_strided_slice %dot_general3A_20 {offsets = [512, 640], sizes = [256, 128], strides = [1, 1]} : vector<1024x4096xf32> to vector<256x128xf32>
    %sub3A_818 = vector.broadcast %slice3A_764 : vector<256x1xf32> to vector<256x128xf32>
    %sub3A_819 = arith.subf %sub3A_818, %slice3A_817 : vector<256x128xf32>
    %slice3A_820 = vector.extract_strided_slice %get3A_23 {offsets = [0, 640], sizes = [1, 128], strides = [1, 1]} : vector<1x4096xf32> to vector<1x128xf32>
    %add3A_821 = vector.broadcast %slice3A_820 : vector<1x128xf32> to vector<256x128xf32>
    %add3A_822 = arith.addf %sub3A_819, %add3A_821 : vector<256x128xf32>
    %lt3A_823 = arith.cmpf olt, %add3A_822, %select_n3A_813 : vector<256x128xf32>
    %select_n3A_824 = arith.select %lt3A_823, %add3A_822, %select_n3A_813 : vector<256x128xi1>, vector<256x128xf32>
    %jit3A_825 = arith.constant 5.000000e+00 : f32
    %broadcast_in_dim3A_826 = vector.broadcast %jit3A_825 : f32 to vector<256x128xf32>
    %select_n3A_827 = arith.select %lt3A_823, %broadcast_in_dim3A_826, %select_n3A_816 : vector<256x128xi1>, vector<256x128xf32>
    %slice3A_828 = vector.extract_strided_slice %dot_general3A_20 {offsets = [512, 768], sizes = [256, 128], strides = [1, 1]} : vector<1024x4096xf32> to vector<256x128xf32>
    %sub3A_829 = vector.broadcast %slice3A_764 : vector<256x1xf32> to vector<256x128xf32>
    %sub3A_830 = arith.subf %sub3A_829, %slice3A_828 : vector<256x128xf32>
    %slice3A_831 = vector.extract_strided_slice %get3A_23 {offsets = [0, 768], sizes = [1, 128], strides = [1, 1]} : vector<1x4096xf32> to vector<1x128xf32>
    %add3A_832 = vector.broadcast %slice3A_831 : vector<1x128xf32> to vector<256x128xf32>
    %add3A_833 = arith.addf %sub3A_830, %add3A_832 : vector<256x128xf32>
    %lt3A_834 = arith.cmpf olt, %add3A_833, %select_n3A_824 : vector<256x128xf32>
    %select_n3A_835 = arith.select %lt3A_834, %add3A_833, %select_n3A_824 : vector<256x128xi1>, vector<256x128xf32>
    %jit3A_836 = arith.constant 6.000000e+00 : f32
    %broadcast_in_dim3A_837 = vector.broadcast %jit3A_836 : f32 to vector<256x128xf32>
    %select_n3A_838 = arith.select %lt3A_834, %broadcast_in_dim3A_837, %select_n3A_827 : vector<256x128xi1>, vector<256x128xf32>
    %slice3A_839 = vector.extract_strided_slice %dot_general3A_20 {offsets = [512, 896], sizes = [256, 128], strides = [1, 1]} : vector<1024x4096xf32> to vector<256x128xf32>
    %sub3A_840 = vector.broadcast %slice3A_764 : vector<256x1xf32> to vector<256x128xf32>
    %sub3A_841 = arith.subf %sub3A_840, %slice3A_839 : vector<256x128xf32>
    %slice3A_842 = vector.extract_strided_slice %get3A_23 {offsets = [0, 896], sizes = [1, 128], strides = [1, 1]} : vector<1x4096xf32> to vector<1x128xf32>
    %add3A_843 = vector.broadcast %slice3A_842 : vector<1x128xf32> to vector<256x128xf32>
    %add3A_844 = arith.addf %sub3A_841, %add3A_843 : vector<256x128xf32>
    %lt3A_845 = arith.cmpf olt, %add3A_844, %select_n3A_835 : vector<256x128xf32>
    %select_n3A_846 = arith.select %lt3A_845, %add3A_844, %select_n3A_835 : vector<256x128xi1>, vector<256x128xf32>
    %jit3A_847 = arith.constant 7.000000e+00 : f32
    %broadcast_in_dim3A_848 = vector.broadcast %jit3A_847 : f32 to vector<256x128xf32>
    %select_n3A_849 = arith.select %lt3A_845, %broadcast_in_dim3A_848, %select_n3A_838 : vector<256x128xi1>, vector<256x128xf32>
    %slice3A_850 = vector.extract_strided_slice %dot_general3A_20 {offsets = [512, 1024], sizes = [256, 128], strides = [1, 1]} : vector<1024x4096xf32> to vector<256x128xf32>
    %sub3A_851 = vector.broadcast %slice3A_764 : vector<256x1xf32> to vector<256x128xf32>
    %sub3A_852 = arith.subf %sub3A_851, %slice3A_850 : vector<256x128xf32>
    %slice3A_853 = vector.extract_strided_slice %get3A_23 {offsets = [0, 1024], sizes = [1, 128], strides = [1, 1]} : vector<1x4096xf32> to vector<1x128xf32>
    %add3A_854 = vector.broadcast %slice3A_853 : vector<1x128xf32> to vector<256x128xf32>
    %add3A_855 = arith.addf %sub3A_852, %add3A_854 : vector<256x128xf32>
    %lt3A_856 = arith.cmpf olt, %add3A_855, %select_n3A_846 : vector<256x128xf32>
    %select_n3A_857 = arith.select %lt3A_856, %add3A_855, %select_n3A_846 : vector<256x128xi1>, vector<256x128xf32>
    %jit3A_858 = arith.constant 8.000000e+00 : f32
    %broadcast_in_dim3A_859 = vector.broadcast %jit3A_858 : f32 to vector<256x128xf32>
    %select_n3A_860 = arith.select %lt3A_856, %broadcast_in_dim3A_859, %select_n3A_849 : vector<256x128xi1>, vector<256x128xf32>
    %slice3A_861 = vector.extract_strided_slice %dot_general3A_20 {offsets = [512, 1152], sizes = [256, 128], strides = [1, 1]} : vector<1024x4096xf32> to vector<256x128xf32>
    %sub3A_862 = vector.broadcast %slice3A_764 : vector<256x1xf32> to vector<256x128xf32>
    %sub3A_863 = arith.subf %sub3A_862, %slice3A_861 : vector<256x128xf32>
    %slice3A_864 = vector.extract_strided_slice %get3A_23 {offsets = [0, 1152], sizes = [1, 128], strides = [1, 1]} : vector<1x4096xf32> to vector<1x128xf32>
    %add3A_865 = vector.broadcast %slice3A_864 : vector<1x128xf32> to vector<256x128xf32>
    %add3A_866 = arith.addf %sub3A_863, %add3A_865 : vector<256x128xf32>
    %lt3A_867 = arith.cmpf olt, %add3A_866, %select_n3A_857 : vector<256x128xf32>
    %select_n3A_868 = arith.select %lt3A_867, %add3A_866, %select_n3A_857 : vector<256x128xi1>, vector<256x128xf32>
    %jit3A_869 = arith.constant 9.000000e+00 : f32
    %broadcast_in_dim3A_870 = vector.broadcast %jit3A_869 : f32 to vector<256x128xf32>
    %select_n3A_871 = arith.select %lt3A_867, %broadcast_in_dim3A_870, %select_n3A_860 : vector<256x128xi1>, vector<256x128xf32>
    %slice3A_872 = vector.extract_strided_slice %dot_general3A_20 {offsets = [512, 1280], sizes = [256, 128], strides = [1, 1]} : vector<1024x4096xf32> to vector<256x128xf32>
    %sub3A_873 = vector.broadcast %slice3A_764 : vector<256x1xf32> to vector<256x128xf32>
    %sub3A_874 = arith.subf %sub3A_873, %slice3A_872 : vector<256x128xf32>
    %slice3A_875 = vector.extract_strided_slice %get3A_23 {offsets = [0, 1280], sizes = [1, 128], strides = [1, 1]} : vector<1x4096xf32> to vector<1x128xf32>
    %add3A_876 = vector.broadcast %slice3A_875 : vector<1x128xf32> to vector<256x128xf32>
    %add3A_877 = arith.addf %sub3A_874, %add3A_876 : vector<256x128xf32>
    %lt3A_878 = arith.cmpf olt, %add3A_877, %select_n3A_868 : vector<256x128xf32>
    %select_n3A_879 = arith.select %lt3A_878, %add3A_877, %select_n3A_868 : vector<256x128xi1>, vector<256x128xf32>
    %jit3A_880 = arith.constant 1.000000e+01 : f32
    %broadcast_in_dim3A_881 = vector.broadcast %jit3A_880 : f32 to vector<256x128xf32>
    %select_n3A_882 = arith.select %lt3A_878, %broadcast_in_dim3A_881, %select_n3A_871 : vector<256x128xi1>, vector<256x128xf32>
    %slice3A_883 = vector.extract_strided_slice %dot_general3A_20 {offsets = [512, 1408], sizes = [256, 128], strides = [1, 1]} : vector<1024x4096xf32> to vector<256x128xf32>
    %sub3A_884 = vector.broadcast %slice3A_764 : vector<256x1xf32> to vector<256x128xf32>
    %sub3A_885 = arith.subf %sub3A_884, %slice3A_883 : vector<256x128xf32>
    %slice3A_886 = vector.extract_strided_slice %get3A_23 {offsets = [0, 1408], sizes = [1, 128], strides = [1, 1]} : vector<1x4096xf32> to vector<1x128xf32>
    %add3A_887 = vector.broadcast %slice3A_886 : vector<1x128xf32> to vector<256x128xf32>
    %add3A_888 = arith.addf %sub3A_885, %add3A_887 : vector<256x128xf32>
    %lt3A_889 = arith.cmpf olt, %add3A_888, %select_n3A_879 : vector<256x128xf32>
    %select_n3A_890 = arith.select %lt3A_889, %add3A_888, %select_n3A_879 : vector<256x128xi1>, vector<256x128xf32>
    %jit3A_891 = arith.constant 1.100000e+01 : f32
    %broadcast_in_dim3A_892 = vector.broadcast %jit3A_891 : f32 to vector<256x128xf32>
    %select_n3A_893 = arith.select %lt3A_889, %broadcast_in_dim3A_892, %select_n3A_882 : vector<256x128xi1>, vector<256x128xf32>
    %slice3A_894 = vector.extract_strided_slice %dot_general3A_20 {offsets = [512, 1536], sizes = [256, 128], strides = [1, 1]} : vector<1024x4096xf32> to vector<256x128xf32>
    %sub3A_895 = vector.broadcast %slice3A_764 : vector<256x1xf32> to vector<256x128xf32>
    %sub3A_896 = arith.subf %sub3A_895, %slice3A_894 : vector<256x128xf32>
    %slice3A_897 = vector.extract_strided_slice %get3A_23 {offsets = [0, 1536], sizes = [1, 128], strides = [1, 1]} : vector<1x4096xf32> to vector<1x128xf32>
    %add3A_898 = vector.broadcast %slice3A_897 : vector<1x128xf32> to vector<256x128xf32>
    %add3A_899 = arith.addf %sub3A_896, %add3A_898 : vector<256x128xf32>
    %lt3A_900 = arith.cmpf olt, %add3A_899, %select_n3A_890 : vector<256x128xf32>
    %select_n3A_901 = arith.select %lt3A_900, %add3A_899, %select_n3A_890 : vector<256x128xi1>, vector<256x128xf32>
    %jit3A_902 = arith.constant 1.200000e+01 : f32
    %broadcast_in_dim3A_903 = vector.broadcast %jit3A_902 : f32 to vector<256x128xf32>
    %select_n3A_904 = arith.select %lt3A_900, %broadcast_in_dim3A_903, %select_n3A_893 : vector<256x128xi1>, vector<256x128xf32>
    %slice3A_905 = vector.extract_strided_slice %dot_general3A_20 {offsets = [512, 1664], sizes = [256, 128], strides = [1, 1]} : vector<1024x4096xf32> to vector<256x128xf32>
    %sub3A_906 = vector.broadcast %slice3A_764 : vector<256x1xf32> to vector<256x128xf32>
    %sub3A_907 = arith.subf %sub3A_906, %slice3A_905 : vector<256x128xf32>
    %slice3A_908 = vector.extract_strided_slice %get3A_23 {offsets = [0, 1664], sizes = [1, 128], strides = [1, 1]} : vector<1x4096xf32> to vector<1x128xf32>
    %add3A_909 = vector.broadcast %slice3A_908 : vector<1x128xf32> to vector<256x128xf32>
    %add3A_910 = arith.addf %sub3A_907, %add3A_909 : vector<256x128xf32>
    %lt3A_911 = arith.cmpf olt, %add3A_910, %select_n3A_901 : vector<256x128xf32>
    %select_n3A_912 = arith.select %lt3A_911, %add3A_910, %select_n3A_901 : vector<256x128xi1>, vector<256x128xf32>
    %jit3A_913 = arith.constant 1.300000e+01 : f32
    %broadcast_in_dim3A_914 = vector.broadcast %jit3A_913 : f32 to vector<256x128xf32>
    %select_n3A_915 = arith.select %lt3A_911, %broadcast_in_dim3A_914, %select_n3A_904 : vector<256x128xi1>, vector<256x128xf32>
    %slice3A_916 = vector.extract_strided_slice %dot_general3A_20 {offsets = [512, 1792], sizes = [256, 128], strides = [1, 1]} : vector<1024x4096xf32> to vector<256x128xf32>
    %sub3A_917 = vector.broadcast %slice3A_764 : vector<256x1xf32> to vector<256x128xf32>
    %sub3A_918 = arith.subf %sub3A_917, %slice3A_916 : vector<256x128xf32>
    %slice3A_919 = vector.extract_strided_slice %get3A_23 {offsets = [0, 1792], sizes = [1, 128], strides = [1, 1]} : vector<1x4096xf32> to vector<1x128xf32>
    %add3A_920 = vector.broadcast %slice3A_919 : vector<1x128xf32> to vector<256x128xf32>
    %add3A_921 = arith.addf %sub3A_918, %add3A_920 : vector<256x128xf32>
    %lt3A_922 = arith.cmpf olt, %add3A_921, %select_n3A_912 : vector<256x128xf32>
    %select_n3A_923 = arith.select %lt3A_922, %add3A_921, %select_n3A_912 : vector<256x128xi1>, vector<256x128xf32>
    %jit3A_924 = arith.constant 1.400000e+01 : f32
    %broadcast_in_dim3A_925 = vector.broadcast %jit3A_924 : f32 to vector<256x128xf32>
    %select_n3A_926 = arith.select %lt3A_922, %broadcast_in_dim3A_925, %select_n3A_915 : vector<256x128xi1>, vector<256x128xf32>
    %slice3A_927 = vector.extract_strided_slice %dot_general3A_20 {offsets = [512, 1920], sizes = [256, 128], strides = [1, 1]} : vector<1024x4096xf32> to vector<256x128xf32>
    %sub3A_928 = vector.broadcast %slice3A_764 : vector<256x1xf32> to vector<256x128xf32>
    %sub3A_929 = arith.subf %sub3A_928, %slice3A_927 : vector<256x128xf32>
    %slice3A_930 = vector.extract_strided_slice %get3A_23 {offsets = [0, 1920], sizes = [1, 128], strides = [1, 1]} : vector<1x4096xf32> to vector<1x128xf32>
    %add3A_931 = vector.broadcast %slice3A_930 : vector<1x128xf32> to vector<256x128xf32>
    %add3A_932 = arith.addf %sub3A_929, %add3A_931 : vector<256x128xf32>
    %lt3A_933 = arith.cmpf olt, %add3A_932, %select_n3A_923 : vector<256x128xf32>
    %select_n3A_934 = arith.select %lt3A_933, %add3A_932, %select_n3A_923 : vector<256x128xi1>, vector<256x128xf32>
    %jit3A_935 = arith.constant 1.500000e+01 : f32
    %broadcast_in_dim3A_936 = vector.broadcast %jit3A_935 : f32 to vector<256x128xf32>
    %select_n3A_937 = arith.select %lt3A_933, %broadcast_in_dim3A_936, %select_n3A_926 : vector<256x128xi1>, vector<256x128xf32>
    %slice3A_938 = vector.extract_strided_slice %dot_general3A_20 {offsets = [512, 2048], sizes = [256, 128], strides = [1, 1]} : vector<1024x4096xf32> to vector<256x128xf32>
    %sub3A_939 = vector.broadcast %slice3A_764 : vector<256x1xf32> to vector<256x128xf32>
    %sub3A_940 = arith.subf %sub3A_939, %slice3A_938 : vector<256x128xf32>
    %slice3A_941 = vector.extract_strided_slice %get3A_23 {offsets = [0, 2048], sizes = [1, 128], strides = [1, 1]} : vector<1x4096xf32> to vector<1x128xf32>
    %add3A_942 = vector.broadcast %slice3A_941 : vector<1x128xf32> to vector<256x128xf32>
    %add3A_943 = arith.addf %sub3A_940, %add3A_942 : vector<256x128xf32>
    %lt3A_944 = arith.cmpf olt, %add3A_943, %select_n3A_934 : vector<256x128xf32>
    %select_n3A_945 = arith.select %lt3A_944, %add3A_943, %select_n3A_934 : vector<256x128xi1>, vector<256x128xf32>
    %jit3A_946 = arith.constant 1.600000e+01 : f32
    %broadcast_in_dim3A_947 = vector.broadcast %jit3A_946 : f32 to vector<256x128xf32>
    %select_n3A_948 = arith.select %lt3A_944, %broadcast_in_dim3A_947, %select_n3A_937 : vector<256x128xi1>, vector<256x128xf32>
    %slice3A_949 = vector.extract_strided_slice %dot_general3A_20 {offsets = [512, 2176], sizes = [256, 128], strides = [1, 1]} : vector<1024x4096xf32> to vector<256x128xf32>
    %sub3A_950 = vector.broadcast %slice3A_764 : vector<256x1xf32> to vector<256x128xf32>
    %sub3A_951 = arith.subf %sub3A_950, %slice3A_949 : vector<256x128xf32>
    %slice3A_952 = vector.extract_strided_slice %get3A_23 {offsets = [0, 2176], sizes = [1, 128], strides = [1, 1]} : vector<1x4096xf32> to vector<1x128xf32>
    %add3A_953 = vector.broadcast %slice3A_952 : vector<1x128xf32> to vector<256x128xf32>
    %add3A_954 = arith.addf %sub3A_951, %add3A_953 : vector<256x128xf32>
    %lt3A_955 = arith.cmpf olt, %add3A_954, %select_n3A_945 : vector<256x128xf32>
    %select_n3A_956 = arith.select %lt3A_955, %add3A_954, %select_n3A_945 : vector<256x128xi1>, vector<256x128xf32>
    %jit3A_957 = arith.constant 1.700000e+01 : f32
    %broadcast_in_dim3A_958 = vector.broadcast %jit3A_957 : f32 to vector<256x128xf32>
    %select_n3A_959 = arith.select %lt3A_955, %broadcast_in_dim3A_958, %select_n3A_948 : vector<256x128xi1>, vector<256x128xf32>
    %slice3A_960 = vector.extract_strided_slice %dot_general3A_20 {offsets = [512, 2304], sizes = [256, 128], strides = [1, 1]} : vector<1024x4096xf32> to vector<256x128xf32>
    %sub3A_961 = vector.broadcast %slice3A_764 : vector<256x1xf32> to vector<256x128xf32>
    %sub3A_962 = arith.subf %sub3A_961, %slice3A_960 : vector<256x128xf32>
    %slice3A_963 = vector.extract_strided_slice %get3A_23 {offsets = [0, 2304], sizes = [1, 128], strides = [1, 1]} : vector<1x4096xf32> to vector<1x128xf32>
    %add3A_964 = vector.broadcast %slice3A_963 : vector<1x128xf32> to vector<256x128xf32>
    %add3A_965 = arith.addf %sub3A_962, %add3A_964 : vector<256x128xf32>
    %lt3A_966 = arith.cmpf olt, %add3A_965, %select_n3A_956 : vector<256x128xf32>
    %select_n3A_967 = arith.select %lt3A_966, %add3A_965, %select_n3A_956 : vector<256x128xi1>, vector<256x128xf32>
    %jit3A_968 = arith.constant 1.800000e+01 : f32
    %broadcast_in_dim3A_969 = vector.broadcast %jit3A_968 : f32 to vector<256x128xf32>
    %select_n3A_970 = arith.select %lt3A_966, %broadcast_in_dim3A_969, %select_n3A_959 : vector<256x128xi1>, vector<256x128xf32>
    %slice3A_971 = vector.extract_strided_slice %dot_general3A_20 {offsets = [512, 2432], sizes = [256, 128], strides = [1, 1]} : vector<1024x4096xf32> to vector<256x128xf32>
    %sub3A_972 = vector.broadcast %slice3A_764 : vector<256x1xf32> to vector<256x128xf32>
    %sub3A_973 = arith.subf %sub3A_972, %slice3A_971 : vector<256x128xf32>
    %slice3A_974 = vector.extract_strided_slice %get3A_23 {offsets = [0, 2432], sizes = [1, 128], strides = [1, 1]} : vector<1x4096xf32> to vector<1x128xf32>
    %add3A_975 = vector.broadcast %slice3A_974 : vector<1x128xf32> to vector<256x128xf32>
    %add3A_976 = arith.addf %sub3A_973, %add3A_975 : vector<256x128xf32>
    %lt3A_977 = arith.cmpf olt, %add3A_976, %select_n3A_967 : vector<256x128xf32>
    %select_n3A_978 = arith.select %lt3A_977, %add3A_976, %select_n3A_967 : vector<256x128xi1>, vector<256x128xf32>
    %jit3A_979 = arith.constant 1.900000e+01 : f32
    %broadcast_in_dim3A_980 = vector.broadcast %jit3A_979 : f32 to vector<256x128xf32>
    %select_n3A_981 = arith.select %lt3A_977, %broadcast_in_dim3A_980, %select_n3A_970 : vector<256x128xi1>, vector<256x128xf32>
    %slice3A_982 = vector.extract_strided_slice %dot_general3A_20 {offsets = [512, 2560], sizes = [256, 128], strides = [1, 1]} : vector<1024x4096xf32> to vector<256x128xf32>
    %sub3A_983 = vector.broadcast %slice3A_764 : vector<256x1xf32> to vector<256x128xf32>
    %sub3A_984 = arith.subf %sub3A_983, %slice3A_982 : vector<256x128xf32>
    %slice3A_985 = vector.extract_strided_slice %get3A_23 {offsets = [0, 2560], sizes = [1, 128], strides = [1, 1]} : vector<1x4096xf32> to vector<1x128xf32>
    %add3A_986 = vector.broadcast %slice3A_985 : vector<1x128xf32> to vector<256x128xf32>
    %add3A_987 = arith.addf %sub3A_984, %add3A_986 : vector<256x128xf32>
    %lt3A_988 = arith.cmpf olt, %add3A_987, %select_n3A_978 : vector<256x128xf32>
    %select_n3A_989 = arith.select %lt3A_988, %add3A_987, %select_n3A_978 : vector<256x128xi1>, vector<256x128xf32>
    %jit3A_990 = arith.constant 2.000000e+01 : f32
    %broadcast_in_dim3A_991 = vector.broadcast %jit3A_990 : f32 to vector<256x128xf32>
    %select_n3A_992 = arith.select %lt3A_988, %broadcast_in_dim3A_991, %select_n3A_981 : vector<256x128xi1>, vector<256x128xf32>
    %slice3A_993 = vector.extract_strided_slice %dot_general3A_20 {offsets = [512, 2688], sizes = [256, 128], strides = [1, 1]} : vector<1024x4096xf32> to vector<256x128xf32>
    %sub3A_994 = vector.broadcast %slice3A_764 : vector<256x1xf32> to vector<256x128xf32>
    %sub3A_995 = arith.subf %sub3A_994, %slice3A_993 : vector<256x128xf32>
    %slice3A_996 = vector.extract_strided_slice %get3A_23 {offsets = [0, 2688], sizes = [1, 128], strides = [1, 1]} : vector<1x4096xf32> to vector<1x128xf32>
    %add3A_997 = vector.broadcast %slice3A_996 : vector<1x128xf32> to vector<256x128xf32>
    %add3A_998 = arith.addf %sub3A_995, %add3A_997 : vector<256x128xf32>
    %lt3A_999 = arith.cmpf olt, %add3A_998, %select_n3A_989 : vector<256x128xf32>
    %select_n3A_1000 = arith.select %lt3A_999, %add3A_998, %select_n3A_989 : vector<256x128xi1>, vector<256x128xf32>
    %jit3A_1001 = arith.constant 2.100000e+01 : f32
    %broadcast_in_dim3A_1002 = vector.broadcast %jit3A_1001 : f32 to vector<256x128xf32>
    %select_n3A_1003 = arith.select %lt3A_999, %broadcast_in_dim3A_1002, %select_n3A_992 : vector<256x128xi1>, vector<256x128xf32>
    %slice3A_1004 = vector.extract_strided_slice %dot_general3A_20 {offsets = [512, 2816], sizes = [256, 128], strides = [1, 1]} : vector<1024x4096xf32> to vector<256x128xf32>
    %sub3A_1005 = vector.broadcast %slice3A_764 : vector<256x1xf32> to vector<256x128xf32>
    %sub3A_1006 = arith.subf %sub3A_1005, %slice3A_1004 : vector<256x128xf32>
    %slice3A_1007 = vector.extract_strided_slice %get3A_23 {offsets = [0, 2816], sizes = [1, 128], strides = [1, 1]} : vector<1x4096xf32> to vector<1x128xf32>
    %add3A_1008 = vector.broadcast %slice3A_1007 : vector<1x128xf32> to vector<256x128xf32>
    %add3A_1009 = arith.addf %sub3A_1006, %add3A_1008 : vector<256x128xf32>
    %lt3A_1010 = arith.cmpf olt, %add3A_1009, %select_n3A_1000 : vector<256x128xf32>
    %select_n3A_1011 = arith.select %lt3A_1010, %add3A_1009, %select_n3A_1000 : vector<256x128xi1>, vector<256x128xf32>
    %jit3A_1012 = arith.constant 2.200000e+01 : f32
    %broadcast_in_dim3A_1013 = vector.broadcast %jit3A_1012 : f32 to vector<256x128xf32>
    %select_n3A_1014 = arith.select %lt3A_1010, %broadcast_in_dim3A_1013, %select_n3A_1003 : vector<256x128xi1>, vector<256x128xf32>
    %slice3A_1015 = vector.extract_strided_slice %dot_general3A_20 {offsets = [512, 2944], sizes = [256, 128], strides = [1, 1]} : vector<1024x4096xf32> to vector<256x128xf32>
    %sub3A_1016 = vector.broadcast %slice3A_764 : vector<256x1xf32> to vector<256x128xf32>
    %sub3A_1017 = arith.subf %sub3A_1016, %slice3A_1015 : vector<256x128xf32>
    %slice3A_1018 = vector.extract_strided_slice %get3A_23 {offsets = [0, 2944], sizes = [1, 128], strides = [1, 1]} : vector<1x4096xf32> to vector<1x128xf32>
    %add3A_1019 = vector.broadcast %slice3A_1018 : vector<1x128xf32> to vector<256x128xf32>
    %add3A_1020 = arith.addf %sub3A_1017, %add3A_1019 : vector<256x128xf32>
    %lt3A_1021 = arith.cmpf olt, %add3A_1020, %select_n3A_1011 : vector<256x128xf32>
    %select_n3A_1022 = arith.select %lt3A_1021, %add3A_1020, %select_n3A_1011 : vector<256x128xi1>, vector<256x128xf32>
    %jit3A_1023 = arith.constant 2.300000e+01 : f32
    %broadcast_in_dim3A_1024 = vector.broadcast %jit3A_1023 : f32 to vector<256x128xf32>
    %select_n3A_1025 = arith.select %lt3A_1021, %broadcast_in_dim3A_1024, %select_n3A_1014 : vector<256x128xi1>, vector<256x128xf32>
    %slice3A_1026 = vector.extract_strided_slice %dot_general3A_20 {offsets = [512, 3072], sizes = [256, 128], strides = [1, 1]} : vector<1024x4096xf32> to vector<256x128xf32>
    %sub3A_1027 = vector.broadcast %slice3A_764 : vector<256x1xf32> to vector<256x128xf32>
    %sub3A_1028 = arith.subf %sub3A_1027, %slice3A_1026 : vector<256x128xf32>
    %slice3A_1029 = vector.extract_strided_slice %get3A_23 {offsets = [0, 3072], sizes = [1, 128], strides = [1, 1]} : vector<1x4096xf32> to vector<1x128xf32>
    %add3A_1030 = vector.broadcast %slice3A_1029 : vector<1x128xf32> to vector<256x128xf32>
    %add3A_1031 = arith.addf %sub3A_1028, %add3A_1030 : vector<256x128xf32>
    %lt3A_1032 = arith.cmpf olt, %add3A_1031, %select_n3A_1022 : vector<256x128xf32>
    %select_n3A_1033 = arith.select %lt3A_1032, %add3A_1031, %select_n3A_1022 : vector<256x128xi1>, vector<256x128xf32>
    %jit3A_1034 = arith.constant 2.400000e+01 : f32
    %broadcast_in_dim3A_1035 = vector.broadcast %jit3A_1034 : f32 to vector<256x128xf32>
    %select_n3A_1036 = arith.select %lt3A_1032, %broadcast_in_dim3A_1035, %select_n3A_1025 : vector<256x128xi1>, vector<256x128xf32>
    %slice3A_1037 = vector.extract_strided_slice %dot_general3A_20 {offsets = [512, 3200], sizes = [256, 128], strides = [1, 1]} : vector<1024x4096xf32> to vector<256x128xf32>
    %sub3A_1038 = vector.broadcast %slice3A_764 : vector<256x1xf32> to vector<256x128xf32>
    %sub3A_1039 = arith.subf %sub3A_1038, %slice3A_1037 : vector<256x128xf32>
    %slice3A_1040 = vector.extract_strided_slice %get3A_23 {offsets = [0, 3200], sizes = [1, 128], strides = [1, 1]} : vector<1x4096xf32> to vector<1x128xf32>
    %add3A_1041 = vector.broadcast %slice3A_1040 : vector<1x128xf32> to vector<256x128xf32>
    %add3A_1042 = arith.addf %sub3A_1039, %add3A_1041 : vector<256x128xf32>
    %lt3A_1043 = arith.cmpf olt, %add3A_1042, %select_n3A_1033 : vector<256x128xf32>
    %select_n3A_1044 = arith.select %lt3A_1043, %add3A_1042, %select_n3A_1033 : vector<256x128xi1>, vector<256x128xf32>
    %jit3A_1045 = arith.constant 2.500000e+01 : f32
    %broadcast_in_dim3A_1046 = vector.broadcast %jit3A_1045 : f32 to vector<256x128xf32>
    %select_n3A_1047 = arith.select %lt3A_1043, %broadcast_in_dim3A_1046, %select_n3A_1036 : vector<256x128xi1>, vector<256x128xf32>
    %slice3A_1048 = vector.extract_strided_slice %dot_general3A_20 {offsets = [512, 3328], sizes = [256, 128], strides = [1, 1]} : vector<1024x4096xf32> to vector<256x128xf32>
    %sub3A_1049 = vector.broadcast %slice3A_764 : vector<256x1xf32> to vector<256x128xf32>
    %sub3A_1050 = arith.subf %sub3A_1049, %slice3A_1048 : vector<256x128xf32>
    %slice3A_1051 = vector.extract_strided_slice %get3A_23 {offsets = [0, 3328], sizes = [1, 128], strides = [1, 1]} : vector<1x4096xf32> to vector<1x128xf32>
    %add3A_1052 = vector.broadcast %slice3A_1051 : vector<1x128xf32> to vector<256x128xf32>
    %add3A_1053 = arith.addf %sub3A_1050, %add3A_1052 : vector<256x128xf32>
    %lt3A_1054 = arith.cmpf olt, %add3A_1053, %select_n3A_1044 : vector<256x128xf32>
    %select_n3A_1055 = arith.select %lt3A_1054, %add3A_1053, %select_n3A_1044 : vector<256x128xi1>, vector<256x128xf32>
    %jit3A_1056 = arith.constant 2.600000e+01 : f32
    %broadcast_in_dim3A_1057 = vector.broadcast %jit3A_1056 : f32 to vector<256x128xf32>
    %select_n3A_1058 = arith.select %lt3A_1054, %broadcast_in_dim3A_1057, %select_n3A_1047 : vector<256x128xi1>, vector<256x128xf32>
    %slice3A_1059 = vector.extract_strided_slice %dot_general3A_20 {offsets = [512, 3456], sizes = [256, 128], strides = [1, 1]} : vector<1024x4096xf32> to vector<256x128xf32>
    %sub3A_1060 = vector.broadcast %slice3A_764 : vector<256x1xf32> to vector<256x128xf32>
    %sub3A_1061 = arith.subf %sub3A_1060, %slice3A_1059 : vector<256x128xf32>
    %slice3A_1062 = vector.extract_strided_slice %get3A_23 {offsets = [0, 3456], sizes = [1, 128], strides = [1, 1]} : vector<1x4096xf32> to vector<1x128xf32>
    %add3A_1063 = vector.broadcast %slice3A_1062 : vector<1x128xf32> to vector<256x128xf32>
    %add3A_1064 = arith.addf %sub3A_1061, %add3A_1063 : vector<256x128xf32>
    %lt3A_1065 = arith.cmpf olt, %add3A_1064, %select_n3A_1055 : vector<256x128xf32>
    %select_n3A_1066 = arith.select %lt3A_1065, %add3A_1064, %select_n3A_1055 : vector<256x128xi1>, vector<256x128xf32>
    %jit3A_1067 = arith.constant 2.700000e+01 : f32
    %broadcast_in_dim3A_1068 = vector.broadcast %jit3A_1067 : f32 to vector<256x128xf32>
    %select_n3A_1069 = arith.select %lt3A_1065, %broadcast_in_dim3A_1068, %select_n3A_1058 : vector<256x128xi1>, vector<256x128xf32>
    %slice3A_1070 = vector.extract_strided_slice %dot_general3A_20 {offsets = [512, 3584], sizes = [256, 128], strides = [1, 1]} : vector<1024x4096xf32> to vector<256x128xf32>
    %sub3A_1071 = vector.broadcast %slice3A_764 : vector<256x1xf32> to vector<256x128xf32>
    %sub3A_1072 = arith.subf %sub3A_1071, %slice3A_1070 : vector<256x128xf32>
    %slice3A_1073 = vector.extract_strided_slice %get3A_23 {offsets = [0, 3584], sizes = [1, 128], strides = [1, 1]} : vector<1x4096xf32> to vector<1x128xf32>
    %add3A_1074 = vector.broadcast %slice3A_1073 : vector<1x128xf32> to vector<256x128xf32>
    %add3A_1075 = arith.addf %sub3A_1072, %add3A_1074 : vector<256x128xf32>
    %lt3A_1076 = arith.cmpf olt, %add3A_1075, %select_n3A_1066 : vector<256x128xf32>
    %select_n3A_1077 = arith.select %lt3A_1076, %add3A_1075, %select_n3A_1066 : vector<256x128xi1>, vector<256x128xf32>
    %jit3A_1078 = arith.constant 2.800000e+01 : f32
    %broadcast_in_dim3A_1079 = vector.broadcast %jit3A_1078 : f32 to vector<256x128xf32>
    %select_n3A_1080 = arith.select %lt3A_1076, %broadcast_in_dim3A_1079, %select_n3A_1069 : vector<256x128xi1>, vector<256x128xf32>
    %slice3A_1081 = vector.extract_strided_slice %dot_general3A_20 {offsets = [512, 3712], sizes = [256, 128], strides = [1, 1]} : vector<1024x4096xf32> to vector<256x128xf32>
    %sub3A_1082 = vector.broadcast %slice3A_764 : vector<256x1xf32> to vector<256x128xf32>
    %sub3A_1083 = arith.subf %sub3A_1082, %slice3A_1081 : vector<256x128xf32>
    %slice3A_1084 = vector.extract_strided_slice %get3A_23 {offsets = [0, 3712], sizes = [1, 128], strides = [1, 1]} : vector<1x4096xf32> to vector<1x128xf32>
    %add3A_1085 = vector.broadcast %slice3A_1084 : vector<1x128xf32> to vector<256x128xf32>
    %add3A_1086 = arith.addf %sub3A_1083, %add3A_1085 : vector<256x128xf32>
    %lt3A_1087 = arith.cmpf olt, %add3A_1086, %select_n3A_1077 : vector<256x128xf32>
    %select_n3A_1088 = arith.select %lt3A_1087, %add3A_1086, %select_n3A_1077 : vector<256x128xi1>, vector<256x128xf32>
    %jit3A_1089 = arith.constant 2.900000e+01 : f32
    %broadcast_in_dim3A_1090 = vector.broadcast %jit3A_1089 : f32 to vector<256x128xf32>
    %select_n3A_1091 = arith.select %lt3A_1087, %broadcast_in_dim3A_1090, %select_n3A_1080 : vector<256x128xi1>, vector<256x128xf32>
    %slice3A_1092 = vector.extract_strided_slice %dot_general3A_20 {offsets = [512, 3840], sizes = [256, 128], strides = [1, 1]} : vector<1024x4096xf32> to vector<256x128xf32>
    %sub3A_1093 = vector.broadcast %slice3A_764 : vector<256x1xf32> to vector<256x128xf32>
    %sub3A_1094 = arith.subf %sub3A_1093, %slice3A_1092 : vector<256x128xf32>
    %slice3A_1095 = vector.extract_strided_slice %get3A_23 {offsets = [0, 3840], sizes = [1, 128], strides = [1, 1]} : vector<1x4096xf32> to vector<1x128xf32>
    %add3A_1096 = vector.broadcast %slice3A_1095 : vector<1x128xf32> to vector<256x128xf32>
    %add3A_1097 = arith.addf %sub3A_1094, %add3A_1096 : vector<256x128xf32>
    %lt3A_1098 = arith.cmpf olt, %add3A_1097, %select_n3A_1088 : vector<256x128xf32>
    %select_n3A_1099 = arith.select %lt3A_1098, %add3A_1097, %select_n3A_1088 : vector<256x128xi1>, vector<256x128xf32>
    %jit3A_1100 = arith.constant 3.000000e+01 : f32
    %broadcast_in_dim3A_1101 = vector.broadcast %jit3A_1100 : f32 to vector<256x128xf32>
    %select_n3A_1102 = arith.select %lt3A_1098, %broadcast_in_dim3A_1101, %select_n3A_1091 : vector<256x128xi1>, vector<256x128xf32>
    %slice3A_1103 = vector.extract_strided_slice %dot_general3A_20 {offsets = [512, 3968], sizes = [256, 128], strides = [1, 1]} : vector<1024x4096xf32> to vector<256x128xf32>
    %sub3A_1104 = vector.broadcast %slice3A_764 : vector<256x1xf32> to vector<256x128xf32>
    %sub3A_1105 = arith.subf %sub3A_1104, %slice3A_1103 : vector<256x128xf32>
    %slice3A_1106 = vector.extract_strided_slice %get3A_23 {offsets = [0, 3968], sizes = [1, 128], strides = [1, 1]} : vector<1x4096xf32> to vector<1x128xf32>
    %add3A_1107 = vector.broadcast %slice3A_1106 : vector<1x128xf32> to vector<256x128xf32>
    %add3A_1108 = arith.addf %sub3A_1105, %add3A_1107 : vector<256x128xf32>
    %lt3A_1109 = arith.cmpf olt, %add3A_1108, %select_n3A_1099 : vector<256x128xf32>
    %select_n3A_1110 = arith.select %lt3A_1109, %add3A_1108, %select_n3A_1099 : vector<256x128xi1>, vector<256x128xf32>
    %jit3A_1111 = arith.constant 3.100000e+01 : f32
    %broadcast_in_dim3A_1112 = vector.broadcast %jit3A_1111 : f32 to vector<256x128xf32>
    %select_n3A_1113 = arith.select %lt3A_1109, %broadcast_in_dim3A_1112, %select_n3A_1102 : vector<256x128xi1>, vector<256x128xf32>
    %reduce_min3A_1114 = arith.constant dense<0x7F800000> : vector<256xf32>
    %reduce_min3A_1115 = vector.multi_reduction <minimumf>, %select_n3A_1110, %reduce_min3A_1114 [1] : vector<256x128xf32> to vector<256xf32>
    %broadcast_in_dim3A_1116 = vector.shape_cast %reduce_min3A_1115 : vector<256xf32> to vector<256x1xf32>
    %mul3A_1117 = arith.constant 1.280000e+02 : f32
    %mul3A_1118 = vector.broadcast %mul3A_1117 : f32 to vector<256x128xf32>
    %mul3A_1119 = arith.mulf %select_n3A_1113, %mul3A_1118 : vector<256x128xf32>
    %add3A_1120 = arith.addf %mul3A_1119, %convert_element_type3A_25 : vector<256x128xf32>
    %eq3A_1121 = vector.broadcast %broadcast_in_dim3A_1116 : vector<256x1xf32> to vector<256x128xf32>
    %eq3A_1122 = arith.cmpf oeq, %select_n3A_1110, %eq3A_1121 : vector<256x128xf32>
    %jit3A_1123 = arith.constant 4.096000e+03 : f32
    %broadcast_in_dim3A_1124 = vector.broadcast %jit3A_1123 : f32 to vector<256x128xf32>
    %select_n3A_1125 = arith.select %eq3A_1122, %add3A_1120, %broadcast_in_dim3A_1124 : vector<256x128xi1>, vector<256x128xf32>
    %reduce_min3A_1126 = arith.constant dense<0x7F800000> : vector<256xf32>
    %reduce_min3A_1127 = vector.multi_reduction <minimumf>, %select_n3A_1125, %reduce_min3A_1126 [1] : vector<256x128xf32> to vector<256xf32>
    %convert_element_type3A_1128 = arith.fptosi %reduce_min3A_1127 : vector<256xf32> to vector<256xi32>
    %reshape3A_1129 = vector.shape_cast %convert_element_type3A_1128 : vector<256xi32> to vector<1x256xi32>
    %reduce_sum3A_1130 = vector.shape_cast %broadcast_in_dim3A_1116 : vector<256x1xf32> to vector<1x256x1xf32>
    %reduce_sum3A_1131 = arith.constant dense<0.000000e+00> : vector<1xf32>
    %reduce_sum3A_1132 = vector.multi_reduction <add>, %reduce_sum3A_1130, %reduce_sum3A_1131 [1, 2] : vector<1x256x1xf32> to vector<1xf32>
    %reduce_sum3A_1133 = vector.shape_cast %reduce_sum3A_1132 : vector<1xf32> to vector<1x1x1xf32>
    %reduce_sum3A_1134 = vector.extract %reduce_sum3A_1133[0, 0, 0] : f32 from vector<1x1x1xf32>
    %reshape3A_1135 = vector.broadcast %reduce_sum3A_1134 : f32 to vector<1x1xf32>
    %add3A_1136 = arith.addf %add3A_763, %reshape3A_1135 : vector<1x1xf32>
    %slice3A_1137 = vector.extract_strided_slice %add3A_16 {offsets = [768, 0], sizes = [256, 1], strides = [1, 1]} : vector<1024x1xf32> to vector<256x1xf32>
    %slice3A_1138 = vector.extract_strided_slice %dot_general3A_20 {offsets = [768, 0], sizes = [256, 128], strides = [1, 1]} : vector<1024x4096xf32> to vector<256x128xf32>
    %sub3A_1139 = vector.broadcast %slice3A_1137 : vector<256x1xf32> to vector<256x128xf32>
    %sub3A_1140 = arith.subf %sub3A_1139, %slice3A_1138 : vector<256x128xf32>
    %slice3A_1141 = vector.extract_strided_slice %get3A_23 {offsets = [0, 0], sizes = [1, 128], strides = [1, 1]} : vector<1x4096xf32> to vector<1x128xf32>
    %add3A_1142 = vector.broadcast %slice3A_1141 : vector<1x128xf32> to vector<256x128xf32>
    %add3A_1143 = arith.addf %sub3A_1140, %add3A_1142 : vector<256x128xf32>
    %broadcast_in_dim3A_1144 = arith.constant 0.000000e+00 : f32
    %broadcast_in_dim3A_1145 = vector.broadcast %broadcast_in_dim3A_1144 : f32 to vector<256x128xf32>
    %slice3A_1146 = vector.extract_strided_slice %dot_general3A_20 {offsets = [768, 128], sizes = [256, 128], strides = [1, 1]} : vector<1024x4096xf32> to vector<256x128xf32>
    %sub3A_1147 = vector.broadcast %slice3A_1137 : vector<256x1xf32> to vector<256x128xf32>
    %sub3A_1148 = arith.subf %sub3A_1147, %slice3A_1146 : vector<256x128xf32>
    %slice3A_1149 = vector.extract_strided_slice %get3A_23 {offsets = [0, 128], sizes = [1, 128], strides = [1, 1]} : vector<1x4096xf32> to vector<1x128xf32>
    %add3A_1150 = vector.broadcast %slice3A_1149 : vector<1x128xf32> to vector<256x128xf32>
    %add3A_1151 = arith.addf %sub3A_1148, %add3A_1150 : vector<256x128xf32>
    %lt3A_1152 = arith.cmpf olt, %add3A_1151, %add3A_1143 : vector<256x128xf32>
    %select_n3A_1153 = arith.select %lt3A_1152, %add3A_1151, %add3A_1143 : vector<256x128xi1>, vector<256x128xf32>
    %jit3A_1154 = arith.constant 1.000000e+00 : f32
    %broadcast_in_dim3A_1155 = vector.broadcast %jit3A_1154 : f32 to vector<256x128xf32>
    %select_n3A_1156 = arith.select %lt3A_1152, %broadcast_in_dim3A_1155, %broadcast_in_dim3A_1145 : vector<256x128xi1>, vector<256x128xf32>
    %slice3A_1157 = vector.extract_strided_slice %dot_general3A_20 {offsets = [768, 256], sizes = [256, 128], strides = [1, 1]} : vector<1024x4096xf32> to vector<256x128xf32>
    %sub3A_1158 = vector.broadcast %slice3A_1137 : vector<256x1xf32> to vector<256x128xf32>
    %sub3A_1159 = arith.subf %sub3A_1158, %slice3A_1157 : vector<256x128xf32>
    %slice3A_1160 = vector.extract_strided_slice %get3A_23 {offsets = [0, 256], sizes = [1, 128], strides = [1, 1]} : vector<1x4096xf32> to vector<1x128xf32>
    %add3A_1161 = vector.broadcast %slice3A_1160 : vector<1x128xf32> to vector<256x128xf32>
    %add3A_1162 = arith.addf %sub3A_1159, %add3A_1161 : vector<256x128xf32>
    %lt3A_1163 = arith.cmpf olt, %add3A_1162, %select_n3A_1153 : vector<256x128xf32>
    %select_n3A_1164 = arith.select %lt3A_1163, %add3A_1162, %select_n3A_1153 : vector<256x128xi1>, vector<256x128xf32>
    %jit3A_1165 = arith.constant 2.000000e+00 : f32
    %broadcast_in_dim3A_1166 = vector.broadcast %jit3A_1165 : f32 to vector<256x128xf32>
    %select_n3A_1167 = arith.select %lt3A_1163, %broadcast_in_dim3A_1166, %select_n3A_1156 : vector<256x128xi1>, vector<256x128xf32>
    %slice3A_1168 = vector.extract_strided_slice %dot_general3A_20 {offsets = [768, 384], sizes = [256, 128], strides = [1, 1]} : vector<1024x4096xf32> to vector<256x128xf32>
    %sub3A_1169 = vector.broadcast %slice3A_1137 : vector<256x1xf32> to vector<256x128xf32>
    %sub3A_1170 = arith.subf %sub3A_1169, %slice3A_1168 : vector<256x128xf32>
    %slice3A_1171 = vector.extract_strided_slice %get3A_23 {offsets = [0, 384], sizes = [1, 128], strides = [1, 1]} : vector<1x4096xf32> to vector<1x128xf32>
    %add3A_1172 = vector.broadcast %slice3A_1171 : vector<1x128xf32> to vector<256x128xf32>
    %add3A_1173 = arith.addf %sub3A_1170, %add3A_1172 : vector<256x128xf32>
    %lt3A_1174 = arith.cmpf olt, %add3A_1173, %select_n3A_1164 : vector<256x128xf32>
    %select_n3A_1175 = arith.select %lt3A_1174, %add3A_1173, %select_n3A_1164 : vector<256x128xi1>, vector<256x128xf32>
    %jit3A_1176 = arith.constant 3.000000e+00 : f32
    %broadcast_in_dim3A_1177 = vector.broadcast %jit3A_1176 : f32 to vector<256x128xf32>
    %select_n3A_1178 = arith.select %lt3A_1174, %broadcast_in_dim3A_1177, %select_n3A_1167 : vector<256x128xi1>, vector<256x128xf32>
    %slice3A_1179 = vector.extract_strided_slice %dot_general3A_20 {offsets = [768, 512], sizes = [256, 128], strides = [1, 1]} : vector<1024x4096xf32> to vector<256x128xf32>
    %sub3A_1180 = vector.broadcast %slice3A_1137 : vector<256x1xf32> to vector<256x128xf32>
    %sub3A_1181 = arith.subf %sub3A_1180, %slice3A_1179 : vector<256x128xf32>
    %slice3A_1182 = vector.extract_strided_slice %get3A_23 {offsets = [0, 512], sizes = [1, 128], strides = [1, 1]} : vector<1x4096xf32> to vector<1x128xf32>
    %add3A_1183 = vector.broadcast %slice3A_1182 : vector<1x128xf32> to vector<256x128xf32>
    %add3A_1184 = arith.addf %sub3A_1181, %add3A_1183 : vector<256x128xf32>
    %lt3A_1185 = arith.cmpf olt, %add3A_1184, %select_n3A_1175 : vector<256x128xf32>
    %select_n3A_1186 = arith.select %lt3A_1185, %add3A_1184, %select_n3A_1175 : vector<256x128xi1>, vector<256x128xf32>
    %jit3A_1187 = arith.constant 4.000000e+00 : f32
    %broadcast_in_dim3A_1188 = vector.broadcast %jit3A_1187 : f32 to vector<256x128xf32>
    %select_n3A_1189 = arith.select %lt3A_1185, %broadcast_in_dim3A_1188, %select_n3A_1178 : vector<256x128xi1>, vector<256x128xf32>
    %slice3A_1190 = vector.extract_strided_slice %dot_general3A_20 {offsets = [768, 640], sizes = [256, 128], strides = [1, 1]} : vector<1024x4096xf32> to vector<256x128xf32>
    %sub3A_1191 = vector.broadcast %slice3A_1137 : vector<256x1xf32> to vector<256x128xf32>
    %sub3A_1192 = arith.subf %sub3A_1191, %slice3A_1190 : vector<256x128xf32>
    %slice3A_1193 = vector.extract_strided_slice %get3A_23 {offsets = [0, 640], sizes = [1, 128], strides = [1, 1]} : vector<1x4096xf32> to vector<1x128xf32>
    %add3A_1194 = vector.broadcast %slice3A_1193 : vector<1x128xf32> to vector<256x128xf32>
    %add3A_1195 = arith.addf %sub3A_1192, %add3A_1194 : vector<256x128xf32>
    %lt3A_1196 = arith.cmpf olt, %add3A_1195, %select_n3A_1186 : vector<256x128xf32>
    %select_n3A_1197 = arith.select %lt3A_1196, %add3A_1195, %select_n3A_1186 : vector<256x128xi1>, vector<256x128xf32>
    %jit3A_1198 = arith.constant 5.000000e+00 : f32
    %broadcast_in_dim3A_1199 = vector.broadcast %jit3A_1198 : f32 to vector<256x128xf32>
    %select_n3A_1200 = arith.select %lt3A_1196, %broadcast_in_dim3A_1199, %select_n3A_1189 : vector<256x128xi1>, vector<256x128xf32>
    %slice3A_1201 = vector.extract_strided_slice %dot_general3A_20 {offsets = [768, 768], sizes = [256, 128], strides = [1, 1]} : vector<1024x4096xf32> to vector<256x128xf32>
    %sub3A_1202 = vector.broadcast %slice3A_1137 : vector<256x1xf32> to vector<256x128xf32>
    %sub3A_1203 = arith.subf %sub3A_1202, %slice3A_1201 : vector<256x128xf32>
    %slice3A_1204 = vector.extract_strided_slice %get3A_23 {offsets = [0, 768], sizes = [1, 128], strides = [1, 1]} : vector<1x4096xf32> to vector<1x128xf32>
    %add3A_1205 = vector.broadcast %slice3A_1204 : vector<1x128xf32> to vector<256x128xf32>
    %add3A_1206 = arith.addf %sub3A_1203, %add3A_1205 : vector<256x128xf32>
    %lt3A_1207 = arith.cmpf olt, %add3A_1206, %select_n3A_1197 : vector<256x128xf32>
    %select_n3A_1208 = arith.select %lt3A_1207, %add3A_1206, %select_n3A_1197 : vector<256x128xi1>, vector<256x128xf32>
    %jit3A_1209 = arith.constant 6.000000e+00 : f32
    %broadcast_in_dim3A_1210 = vector.broadcast %jit3A_1209 : f32 to vector<256x128xf32>
    %select_n3A_1211 = arith.select %lt3A_1207, %broadcast_in_dim3A_1210, %select_n3A_1200 : vector<256x128xi1>, vector<256x128xf32>
    %slice3A_1212 = vector.extract_strided_slice %dot_general3A_20 {offsets = [768, 896], sizes = [256, 128], strides = [1, 1]} : vector<1024x4096xf32> to vector<256x128xf32>
    %sub3A_1213 = vector.broadcast %slice3A_1137 : vector<256x1xf32> to vector<256x128xf32>
    %sub3A_1214 = arith.subf %sub3A_1213, %slice3A_1212 : vector<256x128xf32>
    %slice3A_1215 = vector.extract_strided_slice %get3A_23 {offsets = [0, 896], sizes = [1, 128], strides = [1, 1]} : vector<1x4096xf32> to vector<1x128xf32>
    %add3A_1216 = vector.broadcast %slice3A_1215 : vector<1x128xf32> to vector<256x128xf32>
    %add3A_1217 = arith.addf %sub3A_1214, %add3A_1216 : vector<256x128xf32>
    %lt3A_1218 = arith.cmpf olt, %add3A_1217, %select_n3A_1208 : vector<256x128xf32>
    %select_n3A_1219 = arith.select %lt3A_1218, %add3A_1217, %select_n3A_1208 : vector<256x128xi1>, vector<256x128xf32>
    %jit3A_1220 = arith.constant 7.000000e+00 : f32
    %broadcast_in_dim3A_1221 = vector.broadcast %jit3A_1220 : f32 to vector<256x128xf32>
    %select_n3A_1222 = arith.select %lt3A_1218, %broadcast_in_dim3A_1221, %select_n3A_1211 : vector<256x128xi1>, vector<256x128xf32>
    %slice3A_1223 = vector.extract_strided_slice %dot_general3A_20 {offsets = [768, 1024], sizes = [256, 128], strides = [1, 1]} : vector<1024x4096xf32> to vector<256x128xf32>
    %sub3A_1224 = vector.broadcast %slice3A_1137 : vector<256x1xf32> to vector<256x128xf32>
    %sub3A_1225 = arith.subf %sub3A_1224, %slice3A_1223 : vector<256x128xf32>
    %slice3A_1226 = vector.extract_strided_slice %get3A_23 {offsets = [0, 1024], sizes = [1, 128], strides = [1, 1]} : vector<1x4096xf32> to vector<1x128xf32>
    %add3A_1227 = vector.broadcast %slice3A_1226 : vector<1x128xf32> to vector<256x128xf32>
    %add3A_1228 = arith.addf %sub3A_1225, %add3A_1227 : vector<256x128xf32>
    %lt3A_1229 = arith.cmpf olt, %add3A_1228, %select_n3A_1219 : vector<256x128xf32>
    %select_n3A_1230 = arith.select %lt3A_1229, %add3A_1228, %select_n3A_1219 : vector<256x128xi1>, vector<256x128xf32>
    %jit3A_1231 = arith.constant 8.000000e+00 : f32
    %broadcast_in_dim3A_1232 = vector.broadcast %jit3A_1231 : f32 to vector<256x128xf32>
    %select_n3A_1233 = arith.select %lt3A_1229, %broadcast_in_dim3A_1232, %select_n3A_1222 : vector<256x128xi1>, vector<256x128xf32>
    %slice3A_1234 = vector.extract_strided_slice %dot_general3A_20 {offsets = [768, 1152], sizes = [256, 128], strides = [1, 1]} : vector<1024x4096xf32> to vector<256x128xf32>
    %sub3A_1235 = vector.broadcast %slice3A_1137 : vector<256x1xf32> to vector<256x128xf32>
    %sub3A_1236 = arith.subf %sub3A_1235, %slice3A_1234 : vector<256x128xf32>
    %slice3A_1237 = vector.extract_strided_slice %get3A_23 {offsets = [0, 1152], sizes = [1, 128], strides = [1, 1]} : vector<1x4096xf32> to vector<1x128xf32>
    %add3A_1238 = vector.broadcast %slice3A_1237 : vector<1x128xf32> to vector<256x128xf32>
    %add3A_1239 = arith.addf %sub3A_1236, %add3A_1238 : vector<256x128xf32>
    %lt3A_1240 = arith.cmpf olt, %add3A_1239, %select_n3A_1230 : vector<256x128xf32>
    %select_n3A_1241 = arith.select %lt3A_1240, %add3A_1239, %select_n3A_1230 : vector<256x128xi1>, vector<256x128xf32>
    %jit3A_1242 = arith.constant 9.000000e+00 : f32
    %broadcast_in_dim3A_1243 = vector.broadcast %jit3A_1242 : f32 to vector<256x128xf32>
    %select_n3A_1244 = arith.select %lt3A_1240, %broadcast_in_dim3A_1243, %select_n3A_1233 : vector<256x128xi1>, vector<256x128xf32>
    %slice3A_1245 = vector.extract_strided_slice %dot_general3A_20 {offsets = [768, 1280], sizes = [256, 128], strides = [1, 1]} : vector<1024x4096xf32> to vector<256x128xf32>
    %sub3A_1246 = vector.broadcast %slice3A_1137 : vector<256x1xf32> to vector<256x128xf32>
    %sub3A_1247 = arith.subf %sub3A_1246, %slice3A_1245 : vector<256x128xf32>
    %slice3A_1248 = vector.extract_strided_slice %get3A_23 {offsets = [0, 1280], sizes = [1, 128], strides = [1, 1]} : vector<1x4096xf32> to vector<1x128xf32>
    %add3A_1249 = vector.broadcast %slice3A_1248 : vector<1x128xf32> to vector<256x128xf32>
    %add3A_1250 = arith.addf %sub3A_1247, %add3A_1249 : vector<256x128xf32>
    %lt3A_1251 = arith.cmpf olt, %add3A_1250, %select_n3A_1241 : vector<256x128xf32>
    %select_n3A_1252 = arith.select %lt3A_1251, %add3A_1250, %select_n3A_1241 : vector<256x128xi1>, vector<256x128xf32>
    %jit3A_1253 = arith.constant 1.000000e+01 : f32
    %broadcast_in_dim3A_1254 = vector.broadcast %jit3A_1253 : f32 to vector<256x128xf32>
    %select_n3A_1255 = arith.select %lt3A_1251, %broadcast_in_dim3A_1254, %select_n3A_1244 : vector<256x128xi1>, vector<256x128xf32>
    %slice3A_1256 = vector.extract_strided_slice %dot_general3A_20 {offsets = [768, 1408], sizes = [256, 128], strides = [1, 1]} : vector<1024x4096xf32> to vector<256x128xf32>
    %sub3A_1257 = vector.broadcast %slice3A_1137 : vector<256x1xf32> to vector<256x128xf32>
    %sub3A_1258 = arith.subf %sub3A_1257, %slice3A_1256 : vector<256x128xf32>
    %slice3A_1259 = vector.extract_strided_slice %get3A_23 {offsets = [0, 1408], sizes = [1, 128], strides = [1, 1]} : vector<1x4096xf32> to vector<1x128xf32>
    %add3A_1260 = vector.broadcast %slice3A_1259 : vector<1x128xf32> to vector<256x128xf32>
    %add3A_1261 = arith.addf %sub3A_1258, %add3A_1260 : vector<256x128xf32>
    %lt3A_1262 = arith.cmpf olt, %add3A_1261, %select_n3A_1252 : vector<256x128xf32>
    %select_n3A_1263 = arith.select %lt3A_1262, %add3A_1261, %select_n3A_1252 : vector<256x128xi1>, vector<256x128xf32>
    %jit3A_1264 = arith.constant 1.100000e+01 : f32
    %broadcast_in_dim3A_1265 = vector.broadcast %jit3A_1264 : f32 to vector<256x128xf32>
    %select_n3A_1266 = arith.select %lt3A_1262, %broadcast_in_dim3A_1265, %select_n3A_1255 : vector<256x128xi1>, vector<256x128xf32>
    %slice3A_1267 = vector.extract_strided_slice %dot_general3A_20 {offsets = [768, 1536], sizes = [256, 128], strides = [1, 1]} : vector<1024x4096xf32> to vector<256x128xf32>
    %sub3A_1268 = vector.broadcast %slice3A_1137 : vector<256x1xf32> to vector<256x128xf32>
    %sub3A_1269 = arith.subf %sub3A_1268, %slice3A_1267 : vector<256x128xf32>
    %slice3A_1270 = vector.extract_strided_slice %get3A_23 {offsets = [0, 1536], sizes = [1, 128], strides = [1, 1]} : vector<1x4096xf32> to vector<1x128xf32>
    %add3A_1271 = vector.broadcast %slice3A_1270 : vector<1x128xf32> to vector<256x128xf32>
    %add3A_1272 = arith.addf %sub3A_1269, %add3A_1271 : vector<256x128xf32>
    %lt3A_1273 = arith.cmpf olt, %add3A_1272, %select_n3A_1263 : vector<256x128xf32>
    %select_n3A_1274 = arith.select %lt3A_1273, %add3A_1272, %select_n3A_1263 : vector<256x128xi1>, vector<256x128xf32>
    %jit3A_1275 = arith.constant 1.200000e+01 : f32
    %broadcast_in_dim3A_1276 = vector.broadcast %jit3A_1275 : f32 to vector<256x128xf32>
    %select_n3A_1277 = arith.select %lt3A_1273, %broadcast_in_dim3A_1276, %select_n3A_1266 : vector<256x128xi1>, vector<256x128xf32>
    %slice3A_1278 = vector.extract_strided_slice %dot_general3A_20 {offsets = [768, 1664], sizes = [256, 128], strides = [1, 1]} : vector<1024x4096xf32> to vector<256x128xf32>
    %sub3A_1279 = vector.broadcast %slice3A_1137 : vector<256x1xf32> to vector<256x128xf32>
    %sub3A_1280 = arith.subf %sub3A_1279, %slice3A_1278 : vector<256x128xf32>
    %slice3A_1281 = vector.extract_strided_slice %get3A_23 {offsets = [0, 1664], sizes = [1, 128], strides = [1, 1]} : vector<1x4096xf32> to vector<1x128xf32>
    %add3A_1282 = vector.broadcast %slice3A_1281 : vector<1x128xf32> to vector<256x128xf32>
    %add3A_1283 = arith.addf %sub3A_1280, %add3A_1282 : vector<256x128xf32>
    %lt3A_1284 = arith.cmpf olt, %add3A_1283, %select_n3A_1274 : vector<256x128xf32>
    %select_n3A_1285 = arith.select %lt3A_1284, %add3A_1283, %select_n3A_1274 : vector<256x128xi1>, vector<256x128xf32>
    %jit3A_1286 = arith.constant 1.300000e+01 : f32
    %broadcast_in_dim3A_1287 = vector.broadcast %jit3A_1286 : f32 to vector<256x128xf32>
    %select_n3A_1288 = arith.select %lt3A_1284, %broadcast_in_dim3A_1287, %select_n3A_1277 : vector<256x128xi1>, vector<256x128xf32>
    %slice3A_1289 = vector.extract_strided_slice %dot_general3A_20 {offsets = [768, 1792], sizes = [256, 128], strides = [1, 1]} : vector<1024x4096xf32> to vector<256x128xf32>
    %sub3A_1290 = vector.broadcast %slice3A_1137 : vector<256x1xf32> to vector<256x128xf32>
    %sub3A_1291 = arith.subf %sub3A_1290, %slice3A_1289 : vector<256x128xf32>
    %slice3A_1292 = vector.extract_strided_slice %get3A_23 {offsets = [0, 1792], sizes = [1, 128], strides = [1, 1]} : vector<1x4096xf32> to vector<1x128xf32>
    %add3A_1293 = vector.broadcast %slice3A_1292 : vector<1x128xf32> to vector<256x128xf32>
    %add3A_1294 = arith.addf %sub3A_1291, %add3A_1293 : vector<256x128xf32>
    %lt3A_1295 = arith.cmpf olt, %add3A_1294, %select_n3A_1285 : vector<256x128xf32>
    %select_n3A_1296 = arith.select %lt3A_1295, %add3A_1294, %select_n3A_1285 : vector<256x128xi1>, vector<256x128xf32>
    %jit3A_1297 = arith.constant 1.400000e+01 : f32
    %broadcast_in_dim3A_1298 = vector.broadcast %jit3A_1297 : f32 to vector<256x128xf32>
    %select_n3A_1299 = arith.select %lt3A_1295, %broadcast_in_dim3A_1298, %select_n3A_1288 : vector<256x128xi1>, vector<256x128xf32>
    %slice3A_1300 = vector.extract_strided_slice %dot_general3A_20 {offsets = [768, 1920], sizes = [256, 128], strides = [1, 1]} : vector<1024x4096xf32> to vector<256x128xf32>
    %sub3A_1301 = vector.broadcast %slice3A_1137 : vector<256x1xf32> to vector<256x128xf32>
    %sub3A_1302 = arith.subf %sub3A_1301, %slice3A_1300 : vector<256x128xf32>
    %slice3A_1303 = vector.extract_strided_slice %get3A_23 {offsets = [0, 1920], sizes = [1, 128], strides = [1, 1]} : vector<1x4096xf32> to vector<1x128xf32>
    %add3A_1304 = vector.broadcast %slice3A_1303 : vector<1x128xf32> to vector<256x128xf32>
    %add3A_1305 = arith.addf %sub3A_1302, %add3A_1304 : vector<256x128xf32>
    %lt3A_1306 = arith.cmpf olt, %add3A_1305, %select_n3A_1296 : vector<256x128xf32>
    %select_n3A_1307 = arith.select %lt3A_1306, %add3A_1305, %select_n3A_1296 : vector<256x128xi1>, vector<256x128xf32>
    %jit3A_1308 = arith.constant 1.500000e+01 : f32
    %broadcast_in_dim3A_1309 = vector.broadcast %jit3A_1308 : f32 to vector<256x128xf32>
    %select_n3A_1310 = arith.select %lt3A_1306, %broadcast_in_dim3A_1309, %select_n3A_1299 : vector<256x128xi1>, vector<256x128xf32>
    %slice3A_1311 = vector.extract_strided_slice %dot_general3A_20 {offsets = [768, 2048], sizes = [256, 128], strides = [1, 1]} : vector<1024x4096xf32> to vector<256x128xf32>
    %sub3A_1312 = vector.broadcast %slice3A_1137 : vector<256x1xf32> to vector<256x128xf32>
    %sub3A_1313 = arith.subf %sub3A_1312, %slice3A_1311 : vector<256x128xf32>
    %slice3A_1314 = vector.extract_strided_slice %get3A_23 {offsets = [0, 2048], sizes = [1, 128], strides = [1, 1]} : vector<1x4096xf32> to vector<1x128xf32>
    %add3A_1315 = vector.broadcast %slice3A_1314 : vector<1x128xf32> to vector<256x128xf32>
    %add3A_1316 = arith.addf %sub3A_1313, %add3A_1315 : vector<256x128xf32>
    %lt3A_1317 = arith.cmpf olt, %add3A_1316, %select_n3A_1307 : vector<256x128xf32>
    %select_n3A_1318 = arith.select %lt3A_1317, %add3A_1316, %select_n3A_1307 : vector<256x128xi1>, vector<256x128xf32>
    %jit3A_1319 = arith.constant 1.600000e+01 : f32
    %broadcast_in_dim3A_1320 = vector.broadcast %jit3A_1319 : f32 to vector<256x128xf32>
    %select_n3A_1321 = arith.select %lt3A_1317, %broadcast_in_dim3A_1320, %select_n3A_1310 : vector<256x128xi1>, vector<256x128xf32>
    %slice3A_1322 = vector.extract_strided_slice %dot_general3A_20 {offsets = [768, 2176], sizes = [256, 128], strides = [1, 1]} : vector<1024x4096xf32> to vector<256x128xf32>
    %sub3A_1323 = vector.broadcast %slice3A_1137 : vector<256x1xf32> to vector<256x128xf32>
    %sub3A_1324 = arith.subf %sub3A_1323, %slice3A_1322 : vector<256x128xf32>
    %slice3A_1325 = vector.extract_strided_slice %get3A_23 {offsets = [0, 2176], sizes = [1, 128], strides = [1, 1]} : vector<1x4096xf32> to vector<1x128xf32>
    %add3A_1326 = vector.broadcast %slice3A_1325 : vector<1x128xf32> to vector<256x128xf32>
    %add3A_1327 = arith.addf %sub3A_1324, %add3A_1326 : vector<256x128xf32>
    %lt3A_1328 = arith.cmpf olt, %add3A_1327, %select_n3A_1318 : vector<256x128xf32>
    %select_n3A_1329 = arith.select %lt3A_1328, %add3A_1327, %select_n3A_1318 : vector<256x128xi1>, vector<256x128xf32>
    %jit3A_1330 = arith.constant 1.700000e+01 : f32
    %broadcast_in_dim3A_1331 = vector.broadcast %jit3A_1330 : f32 to vector<256x128xf32>
    %select_n3A_1332 = arith.select %lt3A_1328, %broadcast_in_dim3A_1331, %select_n3A_1321 : vector<256x128xi1>, vector<256x128xf32>
    %slice3A_1333 = vector.extract_strided_slice %dot_general3A_20 {offsets = [768, 2304], sizes = [256, 128], strides = [1, 1]} : vector<1024x4096xf32> to vector<256x128xf32>
    %sub3A_1334 = vector.broadcast %slice3A_1137 : vector<256x1xf32> to vector<256x128xf32>
    %sub3A_1335 = arith.subf %sub3A_1334, %slice3A_1333 : vector<256x128xf32>
    %slice3A_1336 = vector.extract_strided_slice %get3A_23 {offsets = [0, 2304], sizes = [1, 128], strides = [1, 1]} : vector<1x4096xf32> to vector<1x128xf32>
    %add3A_1337 = vector.broadcast %slice3A_1336 : vector<1x128xf32> to vector<256x128xf32>
    %add3A_1338 = arith.addf %sub3A_1335, %add3A_1337 : vector<256x128xf32>
    %lt3A_1339 = arith.cmpf olt, %add3A_1338, %select_n3A_1329 : vector<256x128xf32>
    %select_n3A_1340 = arith.select %lt3A_1339, %add3A_1338, %select_n3A_1329 : vector<256x128xi1>, vector<256x128xf32>
    %jit3A_1341 = arith.constant 1.800000e+01 : f32
    %broadcast_in_dim3A_1342 = vector.broadcast %jit3A_1341 : f32 to vector<256x128xf32>
    %select_n3A_1343 = arith.select %lt3A_1339, %broadcast_in_dim3A_1342, %select_n3A_1332 : vector<256x128xi1>, vector<256x128xf32>
    %slice3A_1344 = vector.extract_strided_slice %dot_general3A_20 {offsets = [768, 2432], sizes = [256, 128], strides = [1, 1]} : vector<1024x4096xf32> to vector<256x128xf32>
    %sub3A_1345 = vector.broadcast %slice3A_1137 : vector<256x1xf32> to vector<256x128xf32>
    %sub3A_1346 = arith.subf %sub3A_1345, %slice3A_1344 : vector<256x128xf32>
    %slice3A_1347 = vector.extract_strided_slice %get3A_23 {offsets = [0, 2432], sizes = [1, 128], strides = [1, 1]} : vector<1x4096xf32> to vector<1x128xf32>
    %add3A_1348 = vector.broadcast %slice3A_1347 : vector<1x128xf32> to vector<256x128xf32>
    %add3A_1349 = arith.addf %sub3A_1346, %add3A_1348 : vector<256x128xf32>
    %lt3A_1350 = arith.cmpf olt, %add3A_1349, %select_n3A_1340 : vector<256x128xf32>
    %select_n3A_1351 = arith.select %lt3A_1350, %add3A_1349, %select_n3A_1340 : vector<256x128xi1>, vector<256x128xf32>
    %jit3A_1352 = arith.constant 1.900000e+01 : f32
    %broadcast_in_dim3A_1353 = vector.broadcast %jit3A_1352 : f32 to vector<256x128xf32>
    %select_n3A_1354 = arith.select %lt3A_1350, %broadcast_in_dim3A_1353, %select_n3A_1343 : vector<256x128xi1>, vector<256x128xf32>
    %slice3A_1355 = vector.extract_strided_slice %dot_general3A_20 {offsets = [768, 2560], sizes = [256, 128], strides = [1, 1]} : vector<1024x4096xf32> to vector<256x128xf32>
    %sub3A_1356 = vector.broadcast %slice3A_1137 : vector<256x1xf32> to vector<256x128xf32>
    %sub3A_1357 = arith.subf %sub3A_1356, %slice3A_1355 : vector<256x128xf32>
    %slice3A_1358 = vector.extract_strided_slice %get3A_23 {offsets = [0, 2560], sizes = [1, 128], strides = [1, 1]} : vector<1x4096xf32> to vector<1x128xf32>
    %add3A_1359 = vector.broadcast %slice3A_1358 : vector<1x128xf32> to vector<256x128xf32>
    %add3A_1360 = arith.addf %sub3A_1357, %add3A_1359 : vector<256x128xf32>
    %lt3A_1361 = arith.cmpf olt, %add3A_1360, %select_n3A_1351 : vector<256x128xf32>
    %select_n3A_1362 = arith.select %lt3A_1361, %add3A_1360, %select_n3A_1351 : vector<256x128xi1>, vector<256x128xf32>
    %jit3A_1363 = arith.constant 2.000000e+01 : f32
    %broadcast_in_dim3A_1364 = vector.broadcast %jit3A_1363 : f32 to vector<256x128xf32>
    %select_n3A_1365 = arith.select %lt3A_1361, %broadcast_in_dim3A_1364, %select_n3A_1354 : vector<256x128xi1>, vector<256x128xf32>
    %slice3A_1366 = vector.extract_strided_slice %dot_general3A_20 {offsets = [768, 2688], sizes = [256, 128], strides = [1, 1]} : vector<1024x4096xf32> to vector<256x128xf32>
    %sub3A_1367 = vector.broadcast %slice3A_1137 : vector<256x1xf32> to vector<256x128xf32>
    %sub3A_1368 = arith.subf %sub3A_1367, %slice3A_1366 : vector<256x128xf32>
    %slice3A_1369 = vector.extract_strided_slice %get3A_23 {offsets = [0, 2688], sizes = [1, 128], strides = [1, 1]} : vector<1x4096xf32> to vector<1x128xf32>
    %add3A_1370 = vector.broadcast %slice3A_1369 : vector<1x128xf32> to vector<256x128xf32>
    %add3A_1371 = arith.addf %sub3A_1368, %add3A_1370 : vector<256x128xf32>
    %lt3A_1372 = arith.cmpf olt, %add3A_1371, %select_n3A_1362 : vector<256x128xf32>
    %select_n3A_1373 = arith.select %lt3A_1372, %add3A_1371, %select_n3A_1362 : vector<256x128xi1>, vector<256x128xf32>
    %jit3A_1374 = arith.constant 2.100000e+01 : f32
    %broadcast_in_dim3A_1375 = vector.broadcast %jit3A_1374 : f32 to vector<256x128xf32>
    %select_n3A_1376 = arith.select %lt3A_1372, %broadcast_in_dim3A_1375, %select_n3A_1365 : vector<256x128xi1>, vector<256x128xf32>
    %slice3A_1377 = vector.extract_strided_slice %dot_general3A_20 {offsets = [768, 2816], sizes = [256, 128], strides = [1, 1]} : vector<1024x4096xf32> to vector<256x128xf32>
    %sub3A_1378 = vector.broadcast %slice3A_1137 : vector<256x1xf32> to vector<256x128xf32>
    %sub3A_1379 = arith.subf %sub3A_1378, %slice3A_1377 : vector<256x128xf32>
    %slice3A_1380 = vector.extract_strided_slice %get3A_23 {offsets = [0, 2816], sizes = [1, 128], strides = [1, 1]} : vector<1x4096xf32> to vector<1x128xf32>
    %add3A_1381 = vector.broadcast %slice3A_1380 : vector<1x128xf32> to vector<256x128xf32>
    %add3A_1382 = arith.addf %sub3A_1379, %add3A_1381 : vector<256x128xf32>
    %lt3A_1383 = arith.cmpf olt, %add3A_1382, %select_n3A_1373 : vector<256x128xf32>
    %select_n3A_1384 = arith.select %lt3A_1383, %add3A_1382, %select_n3A_1373 : vector<256x128xi1>, vector<256x128xf32>
    %jit3A_1385 = arith.constant 2.200000e+01 : f32
    %broadcast_in_dim3A_1386 = vector.broadcast %jit3A_1385 : f32 to vector<256x128xf32>
    %select_n3A_1387 = arith.select %lt3A_1383, %broadcast_in_dim3A_1386, %select_n3A_1376 : vector<256x128xi1>, vector<256x128xf32>
    %slice3A_1388 = vector.extract_strided_slice %dot_general3A_20 {offsets = [768, 2944], sizes = [256, 128], strides = [1, 1]} : vector<1024x4096xf32> to vector<256x128xf32>
    %sub3A_1389 = vector.broadcast %slice3A_1137 : vector<256x1xf32> to vector<256x128xf32>
    %sub3A_1390 = arith.subf %sub3A_1389, %slice3A_1388 : vector<256x128xf32>
    %slice3A_1391 = vector.extract_strided_slice %get3A_23 {offsets = [0, 2944], sizes = [1, 128], strides = [1, 1]} : vector<1x4096xf32> to vector<1x128xf32>
    %add3A_1392 = vector.broadcast %slice3A_1391 : vector<1x128xf32> to vector<256x128xf32>
    %add3A_1393 = arith.addf %sub3A_1390, %add3A_1392 : vector<256x128xf32>
    %lt3A_1394 = arith.cmpf olt, %add3A_1393, %select_n3A_1384 : vector<256x128xf32>
    %select_n3A_1395 = arith.select %lt3A_1394, %add3A_1393, %select_n3A_1384 : vector<256x128xi1>, vector<256x128xf32>
    %jit3A_1396 = arith.constant 2.300000e+01 : f32
    %broadcast_in_dim3A_1397 = vector.broadcast %jit3A_1396 : f32 to vector<256x128xf32>
    %select_n3A_1398 = arith.select %lt3A_1394, %broadcast_in_dim3A_1397, %select_n3A_1387 : vector<256x128xi1>, vector<256x128xf32>
    %slice3A_1399 = vector.extract_strided_slice %dot_general3A_20 {offsets = [768, 3072], sizes = [256, 128], strides = [1, 1]} : vector<1024x4096xf32> to vector<256x128xf32>
    %sub3A_1400 = vector.broadcast %slice3A_1137 : vector<256x1xf32> to vector<256x128xf32>
    %sub3A_1401 = arith.subf %sub3A_1400, %slice3A_1399 : vector<256x128xf32>
    %slice3A_1402 = vector.extract_strided_slice %get3A_23 {offsets = [0, 3072], sizes = [1, 128], strides = [1, 1]} : vector<1x4096xf32> to vector<1x128xf32>
    %add3A_1403 = vector.broadcast %slice3A_1402 : vector<1x128xf32> to vector<256x128xf32>
    %add3A_1404 = arith.addf %sub3A_1401, %add3A_1403 : vector<256x128xf32>
    %lt3A_1405 = arith.cmpf olt, %add3A_1404, %select_n3A_1395 : vector<256x128xf32>
    %select_n3A_1406 = arith.select %lt3A_1405, %add3A_1404, %select_n3A_1395 : vector<256x128xi1>, vector<256x128xf32>
    %jit3A_1407 = arith.constant 2.400000e+01 : f32
    %broadcast_in_dim3A_1408 = vector.broadcast %jit3A_1407 : f32 to vector<256x128xf32>
    %select_n3A_1409 = arith.select %lt3A_1405, %broadcast_in_dim3A_1408, %select_n3A_1398 : vector<256x128xi1>, vector<256x128xf32>
    %slice3A_1410 = vector.extract_strided_slice %dot_general3A_20 {offsets = [768, 3200], sizes = [256, 128], strides = [1, 1]} : vector<1024x4096xf32> to vector<256x128xf32>
    %sub3A_1411 = vector.broadcast %slice3A_1137 : vector<256x1xf32> to vector<256x128xf32>
    %sub3A_1412 = arith.subf %sub3A_1411, %slice3A_1410 : vector<256x128xf32>
    %slice3A_1413 = vector.extract_strided_slice %get3A_23 {offsets = [0, 3200], sizes = [1, 128], strides = [1, 1]} : vector<1x4096xf32> to vector<1x128xf32>
    %add3A_1414 = vector.broadcast %slice3A_1413 : vector<1x128xf32> to vector<256x128xf32>
    %add3A_1415 = arith.addf %sub3A_1412, %add3A_1414 : vector<256x128xf32>
    %lt3A_1416 = arith.cmpf olt, %add3A_1415, %select_n3A_1406 : vector<256x128xf32>
    %select_n3A_1417 = arith.select %lt3A_1416, %add3A_1415, %select_n3A_1406 : vector<256x128xi1>, vector<256x128xf32>
    %jit3A_1418 = arith.constant 2.500000e+01 : f32
    %broadcast_in_dim3A_1419 = vector.broadcast %jit3A_1418 : f32 to vector<256x128xf32>
    %select_n3A_1420 = arith.select %lt3A_1416, %broadcast_in_dim3A_1419, %select_n3A_1409 : vector<256x128xi1>, vector<256x128xf32>
    %slice3A_1421 = vector.extract_strided_slice %dot_general3A_20 {offsets = [768, 3328], sizes = [256, 128], strides = [1, 1]} : vector<1024x4096xf32> to vector<256x128xf32>
    %sub3A_1422 = vector.broadcast %slice3A_1137 : vector<256x1xf32> to vector<256x128xf32>
    %sub3A_1423 = arith.subf %sub3A_1422, %slice3A_1421 : vector<256x128xf32>
    %slice3A_1424 = vector.extract_strided_slice %get3A_23 {offsets = [0, 3328], sizes = [1, 128], strides = [1, 1]} : vector<1x4096xf32> to vector<1x128xf32>
    %add3A_1425 = vector.broadcast %slice3A_1424 : vector<1x128xf32> to vector<256x128xf32>
    %add3A_1426 = arith.addf %sub3A_1423, %add3A_1425 : vector<256x128xf32>
    %lt3A_1427 = arith.cmpf olt, %add3A_1426, %select_n3A_1417 : vector<256x128xf32>
    %select_n3A_1428 = arith.select %lt3A_1427, %add3A_1426, %select_n3A_1417 : vector<256x128xi1>, vector<256x128xf32>
    %jit3A_1429 = arith.constant 2.600000e+01 : f32
    %broadcast_in_dim3A_1430 = vector.broadcast %jit3A_1429 : f32 to vector<256x128xf32>
    %select_n3A_1431 = arith.select %lt3A_1427, %broadcast_in_dim3A_1430, %select_n3A_1420 : vector<256x128xi1>, vector<256x128xf32>
    %slice3A_1432 = vector.extract_strided_slice %dot_general3A_20 {offsets = [768, 3456], sizes = [256, 128], strides = [1, 1]} : vector<1024x4096xf32> to vector<256x128xf32>
    %sub3A_1433 = vector.broadcast %slice3A_1137 : vector<256x1xf32> to vector<256x128xf32>
    %sub3A_1434 = arith.subf %sub3A_1433, %slice3A_1432 : vector<256x128xf32>
    %slice3A_1435 = vector.extract_strided_slice %get3A_23 {offsets = [0, 3456], sizes = [1, 128], strides = [1, 1]} : vector<1x4096xf32> to vector<1x128xf32>
    %add3A_1436 = vector.broadcast %slice3A_1435 : vector<1x128xf32> to vector<256x128xf32>
    %add3A_1437 = arith.addf %sub3A_1434, %add3A_1436 : vector<256x128xf32>
    %lt3A_1438 = arith.cmpf olt, %add3A_1437, %select_n3A_1428 : vector<256x128xf32>
    %select_n3A_1439 = arith.select %lt3A_1438, %add3A_1437, %select_n3A_1428 : vector<256x128xi1>, vector<256x128xf32>
    %jit3A_1440 = arith.constant 2.700000e+01 : f32
    %broadcast_in_dim3A_1441 = vector.broadcast %jit3A_1440 : f32 to vector<256x128xf32>
    %select_n3A_1442 = arith.select %lt3A_1438, %broadcast_in_dim3A_1441, %select_n3A_1431 : vector<256x128xi1>, vector<256x128xf32>
    %slice3A_1443 = vector.extract_strided_slice %dot_general3A_20 {offsets = [768, 3584], sizes = [256, 128], strides = [1, 1]} : vector<1024x4096xf32> to vector<256x128xf32>
    %sub3A_1444 = vector.broadcast %slice3A_1137 : vector<256x1xf32> to vector<256x128xf32>
    %sub3A_1445 = arith.subf %sub3A_1444, %slice3A_1443 : vector<256x128xf32>
    %slice3A_1446 = vector.extract_strided_slice %get3A_23 {offsets = [0, 3584], sizes = [1, 128], strides = [1, 1]} : vector<1x4096xf32> to vector<1x128xf32>
    %add3A_1447 = vector.broadcast %slice3A_1446 : vector<1x128xf32> to vector<256x128xf32>
    %add3A_1448 = arith.addf %sub3A_1445, %add3A_1447 : vector<256x128xf32>
    %lt3A_1449 = arith.cmpf olt, %add3A_1448, %select_n3A_1439 : vector<256x128xf32>
    %select_n3A_1450 = arith.select %lt3A_1449, %add3A_1448, %select_n3A_1439 : vector<256x128xi1>, vector<256x128xf32>
    %jit3A_1451 = arith.constant 2.800000e+01 : f32
    %broadcast_in_dim3A_1452 = vector.broadcast %jit3A_1451 : f32 to vector<256x128xf32>
    %select_n3A_1453 = arith.select %lt3A_1449, %broadcast_in_dim3A_1452, %select_n3A_1442 : vector<256x128xi1>, vector<256x128xf32>
    %slice3A_1454 = vector.extract_strided_slice %dot_general3A_20 {offsets = [768, 3712], sizes = [256, 128], strides = [1, 1]} : vector<1024x4096xf32> to vector<256x128xf32>
    %sub3A_1455 = vector.broadcast %slice3A_1137 : vector<256x1xf32> to vector<256x128xf32>
    %sub3A_1456 = arith.subf %sub3A_1455, %slice3A_1454 : vector<256x128xf32>
    %slice3A_1457 = vector.extract_strided_slice %get3A_23 {offsets = [0, 3712], sizes = [1, 128], strides = [1, 1]} : vector<1x4096xf32> to vector<1x128xf32>
    %add3A_1458 = vector.broadcast %slice3A_1457 : vector<1x128xf32> to vector<256x128xf32>
    %add3A_1459 = arith.addf %sub3A_1456, %add3A_1458 : vector<256x128xf32>
    %lt3A_1460 = arith.cmpf olt, %add3A_1459, %select_n3A_1450 : vector<256x128xf32>
    %select_n3A_1461 = arith.select %lt3A_1460, %add3A_1459, %select_n3A_1450 : vector<256x128xi1>, vector<256x128xf32>
    %jit3A_1462 = arith.constant 2.900000e+01 : f32
    %broadcast_in_dim3A_1463 = vector.broadcast %jit3A_1462 : f32 to vector<256x128xf32>
    %select_n3A_1464 = arith.select %lt3A_1460, %broadcast_in_dim3A_1463, %select_n3A_1453 : vector<256x128xi1>, vector<256x128xf32>
    %slice3A_1465 = vector.extract_strided_slice %dot_general3A_20 {offsets = [768, 3840], sizes = [256, 128], strides = [1, 1]} : vector<1024x4096xf32> to vector<256x128xf32>
    %sub3A_1466 = vector.broadcast %slice3A_1137 : vector<256x1xf32> to vector<256x128xf32>
    %sub3A_1467 = arith.subf %sub3A_1466, %slice3A_1465 : vector<256x128xf32>
    %slice3A_1468 = vector.extract_strided_slice %get3A_23 {offsets = [0, 3840], sizes = [1, 128], strides = [1, 1]} : vector<1x4096xf32> to vector<1x128xf32>
    %add3A_1469 = vector.broadcast %slice3A_1468 : vector<1x128xf32> to vector<256x128xf32>
    %add3A_1470 = arith.addf %sub3A_1467, %add3A_1469 : vector<256x128xf32>
    %lt3A_1471 = arith.cmpf olt, %add3A_1470, %select_n3A_1461 : vector<256x128xf32>
    %select_n3A_1472 = arith.select %lt3A_1471, %add3A_1470, %select_n3A_1461 : vector<256x128xi1>, vector<256x128xf32>
    %jit3A_1473 = arith.constant 3.000000e+01 : f32
    %broadcast_in_dim3A_1474 = vector.broadcast %jit3A_1473 : f32 to vector<256x128xf32>
    %select_n3A_1475 = arith.select %lt3A_1471, %broadcast_in_dim3A_1474, %select_n3A_1464 : vector<256x128xi1>, vector<256x128xf32>
    %slice3A_1476 = vector.extract_strided_slice %dot_general3A_20 {offsets = [768, 3968], sizes = [256, 128], strides = [1, 1]} : vector<1024x4096xf32> to vector<256x128xf32>
    %sub3A_1477 = vector.broadcast %slice3A_1137 : vector<256x1xf32> to vector<256x128xf32>
    %sub3A_1478 = arith.subf %sub3A_1477, %slice3A_1476 : vector<256x128xf32>
    %slice3A_1479 = vector.extract_strided_slice %get3A_23 {offsets = [0, 3968], sizes = [1, 128], strides = [1, 1]} : vector<1x4096xf32> to vector<1x128xf32>
    %add3A_1480 = vector.broadcast %slice3A_1479 : vector<1x128xf32> to vector<256x128xf32>
    %add3A_1481 = arith.addf %sub3A_1478, %add3A_1480 : vector<256x128xf32>
    %lt3A_1482 = arith.cmpf olt, %add3A_1481, %select_n3A_1472 : vector<256x128xf32>
    %select_n3A_1483 = arith.select %lt3A_1482, %add3A_1481, %select_n3A_1472 : vector<256x128xi1>, vector<256x128xf32>
    %jit3A_1484 = arith.constant 3.100000e+01 : f32
    %broadcast_in_dim3A_1485 = vector.broadcast %jit3A_1484 : f32 to vector<256x128xf32>
    %select_n3A_1486 = arith.select %lt3A_1482, %broadcast_in_dim3A_1485, %select_n3A_1475 : vector<256x128xi1>, vector<256x128xf32>
    %reduce_min3A_1487 = arith.constant dense<0x7F800000> : vector<256xf32>
    %reduce_min3A_1488 = vector.multi_reduction <minimumf>, %select_n3A_1483, %reduce_min3A_1487 [1] : vector<256x128xf32> to vector<256xf32>
    %broadcast_in_dim3A_1489 = vector.shape_cast %reduce_min3A_1488 : vector<256xf32> to vector<256x1xf32>
    %mul3A_1490 = arith.constant 1.280000e+02 : f32
    %mul3A_1491 = vector.broadcast %mul3A_1490 : f32 to vector<256x128xf32>
    %mul3A_1492 = arith.mulf %select_n3A_1486, %mul3A_1491 : vector<256x128xf32>
    %add3A_1493 = arith.addf %mul3A_1492, %convert_element_type3A_25 : vector<256x128xf32>
    %eq3A_1494 = vector.broadcast %broadcast_in_dim3A_1489 : vector<256x1xf32> to vector<256x128xf32>
    %eq3A_1495 = arith.cmpf oeq, %select_n3A_1483, %eq3A_1494 : vector<256x128xf32>
    %jit3A_1496 = arith.constant 4.096000e+03 : f32
    %broadcast_in_dim3A_1497 = vector.broadcast %jit3A_1496 : f32 to vector<256x128xf32>
    %select_n3A_1498 = arith.select %eq3A_1495, %add3A_1493, %broadcast_in_dim3A_1497 : vector<256x128xi1>, vector<256x128xf32>
    %reduce_min3A_1499 = arith.constant dense<0x7F800000> : vector<256xf32>
    %reduce_min3A_1500 = vector.multi_reduction <minimumf>, %select_n3A_1498, %reduce_min3A_1499 [1] : vector<256x128xf32> to vector<256xf32>
    %convert_element_type3A_1501 = arith.fptosi %reduce_min3A_1500 : vector<256xf32> to vector<256xi32>
    %reshape3A_1502 = vector.shape_cast %convert_element_type3A_1501 : vector<256xi32> to vector<1x256xi32>
    %reduce_sum3A_1503 = vector.shape_cast %broadcast_in_dim3A_1489 : vector<256x1xf32> to vector<1x256x1xf32>
    %reduce_sum3A_1504 = arith.constant dense<0.000000e+00> : vector<1xf32>
    %reduce_sum3A_1505 = vector.multi_reduction <add>, %reduce_sum3A_1503, %reduce_sum3A_1504 [1, 2] : vector<1x256x1xf32> to vector<1xf32>
    %reduce_sum3A_1506 = vector.shape_cast %reduce_sum3A_1505 : vector<1xf32> to vector<1x1x1xf32>
    %reduce_sum3A_1507 = vector.extract %reduce_sum3A_1506[0, 0, 0] : f32 from vector<1x1x1xf32>
    %reshape3A_1508 = vector.broadcast %reduce_sum3A_1507 : f32 to vector<1x1xf32>
    %add3A_1509 = arith.addf %add3A_1136, %reshape3A_1508 : vector<1x1xf32>
    %concatenate3A = tpu.concatenate %reshape3A, %reshape3A_756, %reshape3A_1129, %reshape3A_1502 in 1 : vector<1x256xi32>, vector<1x256xi32>, vector<1x256xi32>, vector<1x256xi32> -> vector<1x1024xi32>
    %reshape3A_1510 = vector.shape_cast %concatenate3A : vector<1x1024xi32> to vector<1x1x1024xi32>
    %swap3A = arith.constant 0 : index
    %swap3A_1511 = arith.constant 0 : index
    %swap3A_1512 = arith.constant 0 : index
    %swap3A_1513 = vector.load %arg4[%swap3A, %swap3A_1511, %swap3A_1512] : memref<1x1x1024xi32, #tpu.memory_space<vmem>>, vector<1x1x1024xi32>
    tpu.vector_store %arg4[%swap3A, %swap3A_1511, %swap3A_1512], %reshape3A_1510 {strides = array<i32>} : memref<1x1x1024xi32, #tpu.memory_space<vmem>>, vector<1x1x1024xi32>,
    %eq3A_1514 = arith.constant 0 : i32
    %eq3A_1515 = arith.cmpi eq, %arg0, %eq3A_1514 : i32
    %convert_element_type3A_1516 = arith.extui %eq3A_1515 : i1 to i32
    %cond3A = arith.constant 0 : i32
    %cond3A_1517 = arith.cmpi ne, %convert_element_type3A_1516, %cond3A : i32
    scf.if %cond3A_1517 {
      %broadcast_in_dim3A_1525 = arith.constant 0.000000e+00 : f32
      %broadcast_in_dim3A_1526 = vector.broadcast %broadcast_in_dim3A_1525 : f32 to vector<1x1xf32>
      %swap3A_1527 = arith.constant 0 : index
      %swap3A_1528 = arith.constant 0 : index
      %swap3A_1529 = vector.load %arg5[%swap3A_1527, %swap3A_1528] : memref<1x1xf32, #tpu.memory_space<vmem>>, vector<1x1xf32>
      tpu.vector_store %arg5[%swap3A_1527, %swap3A_1528], %broadcast_in_dim3A_1526 {strides = array<i32>} : memref<1x1xf32, #tpu.memory_space<vmem>>, vector<1x1xf32>,
    } else {
    }
    %get3A_1518 = arith.constant 0 : index
    %get3A_1519 = arith.constant 0 : index
    %get3A_1520 = vector.load %arg5[%get3A_1518, %get3A_1519] : memref<1x1xf32, #tpu.memory_space<vmem>>, vector<1x1xf32>
    %add3A_1521 = arith.addf %get3A_1520, %add3A_1509 : vector<1x1xf32>
    %swap3A_1522 = arith.constant 0 : index
    %swap3A_1523 = arith.constant 0 : index
    %swap3A_1524 = vector.load %arg5[%swap3A_1522, %swap3A_1523] : memref<1x1xf32, #tpu.memory_space<vmem>>, vector<1x1xf32>
    tpu.vector_store %arg5[%swap3A_1522, %swap3A_1523], %add3A_1521 {strides = array<i32>} : memref<1x1xf32, #tpu.memory_space<vmem>>, vector<1x1xf32>,
    return
  }
  func.func @transform_0(%arg0: i32) -> (i32, i32) {
    %c0_i32 = arith.constant 0 : i32
    %c0_i32_0 = arith.constant 0 : i32
    return %arg0, %c0_i32 : i32, i32
  }
  func.func @transform_1(%arg0: i32) -> (i32, i32) {
    %c0_i32 = arith.constant 0 : i32
    %c0_i32_0 = arith.constant 0 : i32
    %c0_i32_1 = arith.constant 0 : i32
    return %c0_i32, %c0_i32_0 : i32, i32
  }
  func.func @transform_2(%arg0: i32) -> (i32, i32) {
    %c0_i32 = arith.constant 0 : i32
    %c0_i32_0 = arith.constant 0 : i32
    %c0_i32_1 = arith.constant 0 : i32
    return %c0_i32, %c0_i32_0 : i32, i32
  }
  func.func @transform_3(%arg0: i32) -> (i32, i32, i32) {
    %c0_i32 = arith.constant 0 : i32
    %c0_i32_0 = arith.constant 0 : i32
    %c0_i32_1 = arith.constant 0 : i32
    return %arg0, %c0_i32, %c0_i32_0 : i32, i32, i32
  }
  func.func @transform_4(%arg0: i32) -> (i32, i32) {
    %c0_i32 = arith.constant 0 : i32
    %c0_i32_0 = arith.constant 0 : i32
    %c0_i32_1 = arith.constant 0 : i32
    return %c0_i32, %c0_i32_0 : i32, i32
  }
}

</mosaic_0001>

<sc_bundles>
// kernel: kernel.4.cloned.1.call-start
scs
__scs_entry_jumppad:
0x0: {  	(pc) =	sbr.rel $0x88, $3  }
0x1: {  	(tag) =	ssettag $0x0;
	lr =	simm.s32 $0x1  }
0x2: {  	[smem:$0x3F9F] =	sst lr;
	_ =	strace $0xD0000000  }
0x3: {  	_ = 	snop  }
0x4: {  	_ = 	snop  }
0x5: {  	_ = 	snop  }
0x6: {  	_ = 	snop  }
0x7: {  	_ = 	snop  }
__scs_overlays_trampoline_lowered:
0x8: {  	[smem:$0x3FAE] =	sst s0  }
0x9: {  	[smem:$0x3FAF] =	sst s1  }
0xa: {  	[smem:$0x3FB0] =	sst s2  }
0xb: {  	[smem:$0x3FB1] =	sst s3  }
0xc: {  	[smem:$0x3FB2] =	sst s4  }
0xd: {  	[smem:$0x3FB3] =	sst s5  }
0xe: {  	[smem:$0x3FB4] =	sst s6  }
0xf: {  	[smem:$0x3FB5] =	sst s7  }
0x10: {  	[smem:$0x3FB6] =	sst s8  }
0x11: {  	[smem:$0x3FB7] =	sst s9;
	s0 =	simm.s32 @!p0 $0x0  }
0x12: {  	s1 =	sld [smem:$0x3F9D];
	s0 =	simm.s32 @p0 $0x1  }
0x13: {  	[smem:$0x3FB8] =	sst s0;
	s0 =	simm.s32 @!p1 $0x0  }
0x14: {  	s2 =	sld [smem:$0x3F9C];
	s0 =	simm.s32 @p1 $0x1  }
0x15: {  	[smem:$0x3FB9] =	sst s0;
	s0 =	simm.s32 @!p2 $0x0  }
0x16: {  	s3 =	sld [smem:$0x3FDB];
	s0 =	simm.s32 @p2 $0x1  }
0x17: {  	s4 =	simm.s32 $0x1BF5;
	[smem:$0x3FBB] =	sst s0  }
0x18: {  	s0 =	sld [smem:$0x3F9E];
	_ =	swait.ge [sflag:s4], $0x0  }
0x19: {  	s7 =	sld [smem:$0x3F9F]  }
0x1a: {  	s8 =	sadd.s32 $0xFFFFE003, lr  }
0x1b: {  	s9 =	sadd.s32 $0xFFFFFEF7, lr;
	s5 =	simm.s32 $0xFFFFFFFF;
	p2 =	slt.u32 s8, $0xFFFFF086  }
0x1c: {  	p1 =	slt.u32 s9, $0xF7A;
	s5 =	simm.s32 @!p2 $0x0  }
0x1d: {  	s5 =	simm.s32 @p1 $0x1;
	p0 =	seq.s32 s7, s2  }
0x1e: {  	s7 =	smul.u32 @!p0 $0xF7A, s2;
	p2 =	seq.s32 @!p0 s5, $0x0  }
0x1f: {  	s9 =	smul.u32 $0xF7A, s1;
	s8 =	simm.s32 @!p0 $0x1BF5;
	p2 =	por !p2, p0  }
0x20: {  	[sflag:s8] =	ssyncset.s32 @!p0 $0xFFFFF086;
	s6 =	sadd.s32 @!p0 s3, s7;
	s7 =	simm.s32 @!p0 $0x108  }
0x21: {  	s3 =	sadd.s32 s3, s9;
	s6 =	sadd.s32 @!p0 $0x88, s6;
	s7 =	simm.s32 @p2 $0x1082  }
0x22: {  	[simem:s7], [sflag:s8] =	dma.local @!p0 [hbm:s6], $0xF7A  }
0x23: {  	s9 =	sor.u32 $0xD0000000, s2;
	s6 =	simm.s32 $0x108;
	_ =	swait.ge @!p0 [sflag:s8], $0x0  }
0x24: {  	s3 =	sadd.s32 $0x88, s3;
	s6 =	simm.s32 @!p1 $0x1082;
	[sflag:s4] =	ssyncset.s32 $0xFFFFF086  }
0x25: {  	[simem:s6], [sflag:s4] =	dma.local [hbm:s3], $0xF7A  }
0x26: {  	[smem:$0x3F9F] =	sst s1;
	(tag) =	ssettag s2;
	_ =	strace s9  }
0x27: {  	s1 =	sld [smem:$0x3FAF]  }
0x28: {  	s2 =	sld [smem:$0x3FB0]  }
0x29: {  	s4 =	sld [smem:$0x3FB2]  }
0x2a: {  	p0 =	seq.s32 s5, $0x0;
	s5 =	sld [smem:$0x3FB3]  }
0x2b: {  	s6 =	sld [smem:$0x3FB4]  }
0x2c: {  	s7 =	sld [smem:$0x3FB5]  }
0x2d: {  	s3 =	simm.s32 $0x108;
	s8 =	sld [smem:$0x3FB6]  }
0x2e: {  	s3 =	simm.s32 @!p0 $0x1082;
	s9 =	sld [smem:$0x3FB7]  }
0x2f: {  	lr =	sadd.s32 s0, s3;
	s0 =	sld [smem:$0x3FAE]  }
0x30: {  	s3 =	sld [smem:$0x3FB1]  }
0x31: {  	[smem:$0x3FBA] =	sst s10  }
0x32: {  	s10 =	sld [smem:$0x3FB8];
	_ =	sdelay $0x3  }
0x33: {  	p0 =	seq.s32 s10, $0x1;
	s10 =	sld [smem:$0x3FBA];
	_ =	sdelay $0x3  }
0x34: {  	[smem:$0x3FBA] =	sst s10  }
0x35: {  	s10 =	sld [smem:$0x3FB9];
	_ =	sdelay $0x3  }
0x36: {  	p1 =	seq.s32 s10, $0x1;
	s10 =	sld [smem:$0x3FBA];
	_ =	sdelay $0x3  }
0x37: {  	[smem:$0x3FBA] =	sst s10  }
0x38: {  	s10 =	sld [smem:$0x3FBB]  }
0x39: {  	_ = 	snop;
	(pc) =	sbr.ind lr, $3  }
0x3a: {  	_ = 	snop  }
0x3b: {  	_ = 	snop  }
0x3c: {  	p2 =	seq.s32 s10, $0x1;
	s10 =	sld [smem:$0x3FBA]  }
0x3d: {  	_ =	shalt  }
0x3e: {  	_ =	shalt  }
0x3f: {  	_ =	shalt  }
0x40: {  	_ =	shalt  }
0x41: {  	_ =	shalt  }
0x42: {  	_ =	shalt  }
0x43: {  	_ =	shalt  }
0x44: {  	_ =	shalt  }
0x45: {  	_ =	shalt  }
0x46: {  	_ =	shalt  }
0x47: {  	_ =	shalt  }
0x48: {  	_ =	shalt  }
0x49: {  	_ =	shalt  }
0x4a: {  	_ =	shalt  }
0x4b: {  	_ =	shalt  }
0x4c: {  	_ =	shalt  }
0x4d: {  	_ =	shalt  }
0x4e: {  	_ =	shalt  }
0x4f: {  	_ =	shalt  }
0x50: {  	_ =	shalt  }
0x51: {  	_ =	shalt  }
0x52: {  	_ =	shalt  }
0x53: {  	_ =	shalt  }
0x54: {  	_ =	shalt  }
0x55: {  	_ =	shalt  }
0x56: {  	_ =	shalt  }
0x57: {  	_ =	shalt  }
0x58: {  	_ =	shalt  }
0x59: {  	_ =	shalt  }
0x5a: {  	_ =	shalt  }
0x5b: {  	_ =	shalt  }
0x5c: {  	_ =	shalt  }
0x5d: {  	_ =	shalt  }
0x5e: {  	_ =	shalt  }
0x5f: {  	_ =	shalt  }
0x60: {  	_ =	shalt  }
0x61: {  	_ =	shalt  }
0x62: {  	_ =	shalt  }
0x63: {  	_ =	shalt  }
0x64: {  	_ =	shalt  }
0x65: {  	_ =	shalt  }
0x66: {  	_ =	shalt  }
0x67: {  	_ =	shalt  }
0x68: {  	_ =	shalt  }
0x69: {  	_ =	shalt  }
0x6a: {  	_ =	shalt  }
0x6b: {  	_ =	shalt  }
0x6c: {  	_ =	shalt  }
0x6d: {  	_ =	shalt  }
0x6e: {  	_ =	shalt  }
0x6f: {  	_ =	shalt  }
0x70: {  	_ =	shalt  }
0x71: {  	_ =	shalt  }
0x72: {  	_ =	shalt  }
0x73: {  	_ =	shalt  }
0x74: {  	_ =	shalt  }
0x75: {  	_ =	shalt  }
0x76: {  	_ =	shalt  }
0x77: {  	_ =	shalt  }
0x78: {  	_ =	shalt  }
0x79: {  	_ =	shalt  }
0x7a: {  	_ =	shalt  }
0x7b: {  	_ =	shalt  }
0x7c: {  	_ =	shalt  }
0x7d: {  	_ =	shalt  }
0x7e: {  	_ =	shalt  }
0x7f: {  	_ =	shalt  }
0x80: {  	_ =	shalt  }
0x81: {  	_ =	shalt  }
0x82: {  	_ =	shalt  }
0x83: {  	_ =	shalt  }
0x84: {  	_ =	shalt  }
0x85: {  	_ =	shalt  }
0x86: {  	_ =	shalt  }
0x87: {  	_ =	shalt  }
.Lfunc_end0:
.L_simem_size_0:
called_computation_lowered:
.L_overlay_start_0:
0x88: {  	s2 =	sld [smem:$0x3FD9]  }
0x89: {  	s3 =	sld [smem:$0x3FFE];
	_ =	sdelay $0x1  }
0x8a: {  	s1 =	srdreg.scid  }
0x8b: {  	s0 =	sand.u32 $0x1, s1  }
0x8c: {  	s14 =	sshll.u32 s0, $0xA;
	s2 =	sadd.s32 s3, s2  }
0x8d: {  	s2 =	sadd.s32 s2, s14  }
0x8e: {  	[smem:$0x3FC6] =	sst s2  }
0x8f: {  	_ = 	snop  }
0x90: {  	s2 =	sld [smem:$0x3FD0];
	_ =	sdelay $0x2  }
0x91: {  	s15 =	simm.s32 $0xA;
	s4 =	simm.s32 $0x10  }
0x92: {  	[smem:s4], [sflag:s15] =	dma.local [hbm:s2], $0x1  }
0x93: {  	_ =	swait.eq [sflag:s15], $0x1  }
0x94: {  	[sflag:s15] =	ssyncset.done $0x0  }
0x95: {  	[sflag:s15] =	ssyncadd.s32 $0xFFFFFFFF  }
0x96: {  	s16 =	sld [smem:$0x10];
	(tm) =	ssettm $0x1  }
0x97: {  	s17 =	sld [smem:$0x3FFB];
	_ =	sdelay $0x3  }
0x98: {  	_ =	strace s17  }
0x99: {  	s3 =	sld [smem:$0x3FFC];
	_ =	sdelay $0x3  }
0x9a: {  	_ =	strace s3  }
0x9b: {  	s3 =	sld [smem:$0x3FFD];
	_ =	sdelay $0x3  }
0x9c: {  	_ =	strace s3  }
0x9d: {  	_ =	strace $0x8FFFFFFF  }
0x9e: {  	s18 =	sld [smem:$0x3FDB];
	_ =	sdelay $0x1  }
0x9f: {  	s19 =	simm.s32 $_scs_section_size  }
0xa0: {  	s5 =	simm.s32 $_size__tile_overlayer_lowered;
	s6 =	simm.s32 $_tile_overlayer_lowered  }
0xa1: {  	s22 =	simm.s32 $0x1BFF;
	s21 =	sshll.u32 s6, $0x1;
	s3 =	sadd.s32 s19, s18  }
0xa2: {  	s7 =	simm.s32 $0x0;
	s20 =	sshll.u32 s5, $0x1;
	s5 =	sadd.s32 s21, s3  }
0xa3: {  	[timem:s7], [sflag:s22] =	dma.local [hbm:s5], s20  }
0xa4: {  	_ =	swait.ge [sflag:s22], s20  }
0xa5: {  	s4 =	ssub.s32 $0x0, s20;
	[sflag:s22] =	ssyncset.done $0x0  }
0xa6: {  	[sflag:s22] =	ssyncadd.s32 s4;
	_ =	sdelay $0x1  }
0xa7: {  	s23 =	simm.s32 $0x1B8B  }
0xa8: {  	_ =	swait.ge [sflag:s23], $0x1  }
0xa9: {  	[sflag:s23] =	ssyncset.done $0x0  }
0xaa: {  	s25 =	simm.s32 $0x1B8E;
	s24 =	sld [smem:$0x3FFE];
	[sflag:s23] =	ssyncadd.s32 $0xFFFFFFFF  }
0xab: {  	s26 =	simm.s32 $execute0_lowered;
	[smem:$0x3FD2] =	sst s25  }
0xac: {  	s5 =	sshll.u32 s26, $0x1;
	_ =	strace $0x80000046;
	[dreg:$0x1] =	wrdreg $0xFFFFFFFF  }
0xad: {  	s28 =	simm.s32 $_size_execute0_lowered;
	s3 =	sadd.s32 s3, s5;
	[dreg:$0x0] =	wrdreg $0x0  }
0xae: {  	s5 =	sshll.u32 s28, $0x1;
	[dreg:$0x2] =	wrdreg s3  }
0xaf: {  	[dreg:$0x3] =	wrdreg s5  }
0xb0: {  	[dreg:$0x4] =	wrdreg $0xC0  }
0xb1: {  	_ =	task [dreg:s7], $0x5FFFF  }
0xb2: {  	[dreg:$0x1] =	wrdreg $0xFFFFFFFF  }
0xb3: {  	[dreg:$0x0] =	wrdreg $0x60  }
0xb4: {  	[dreg:$0x2] =	wrdreg s24  }
0xb5: {  	[dreg:$0x3] =	wrdreg s16  }
0xb6: {  	[dreg:$0x4] =	wrdreg $0x9  }
0xb7: {  	_ =	task.clear_ibuf [dreg:s7], $0x5FFFF;
	_ =	strace $0x90000046  }
0xb8: {  	s29 =	simm.s32 $0x9;
	_ =	strace $0x80000048  }
0xb9: {  	_ =	swait.ge [sflag:s29], $0x1  }
0xba: {  	[sflag:s29] =	ssyncadd.s32 $0xFFFFFFFF  }
0xbb: {  	_ =	strace $0x90000048  }
0xbc: {  	_ =	sfence  }
0xbd: {  	s30 =	sld [smem:$0x0];
	_ =	sdelay $0x2  }
0xbe: {  	s31 =	sshll.u32 s1, $0xD;
	s1 =	sshrl.u32 s1, $0x2  }
0xbf: {  	s3 =	sand.u32 $0x4000, s31;
	s1 =	sadd.s32 s1, s30  }
0xc0: {  	s0 =	sor.u32 s3, s0;
	s1 =	sshll.u32 s1, $0x11  }
0xc1: {  	s0 =	sor.u32 s1, s0  }
0xc2: {  	s0 =	sadd.s32 $0x8F2B, s0  }
0xc3: {  	[sflag:s0] =	ssyncadd.remote.s32 $0x1  }
0xc4: {  	_ =	sfence.sel $0xFFFF  }
0xc5: {  	[dreg:$0x0] =	wrdreg $0xFFFFFFFF;
	(pc) =	sbr.abs _section_cstart, $3  }
0xc6: {  	[dreg:$0x1] =	wrdreg $0xFFFFFFFF  }
0xc7: {  	_ =	task.clear_ibuf [dreg:s7], $0x2FFFF;
	_ =	strace $0x9FFFFFFF  }
0xc8: {  	(tm) =	ssettm $0x7FFFFFFF  }
0xc9: {  	_ =	shalt  }
tec
execute0_lowered:
.L_overlay_start_1:
0x0: {  	(tag) =	ssettag $0x1  }
0x1: {  	s4 =	rddreg [dreg:$0x0]  }
0x2: {  	s5 =	rddreg [dreg:$0x1]  }
0x3: {  	s2 =	srdreg.scid;
	s0 =	rddreg [dreg:$0x2]  }
0x4: {  	s1 =	stileid.u32;
	s10 =	simm.s32 $0x1;
	s11 =	simm.s32 $0x4800  }
0x5: {  	s12 =	simm.s32 $0x5000;
	s13 =	simm.s32 $0x5800;
	s14 =	simm.s32 $0x6000  }
0x6: {  	s15 =	simm.s32 $0x0;
	s6 =	sand.u32 $0x1, s2;
	s2 =	simm.s32 $0x0  }
0x7: {  	s3 =	sshll.u32 s1, $0xC;
	s31 =	sshll.u32 s1, $0xE;
	s7 =	sshll.u32 s6, $0xB  }
0x8: {  	[smem:$0x7FF] =	sst s2;
	s6 =	ssub.s32 $0x2, s6;
	s7 =	sor.u32 s7, s3  }
0x9: {  	_ =	strace $0x80000047;
	s3 =	sadd.s32 $0x100200, s4;
	s8 =	sor.u32 s31, s7  }
0xa: {  	s9 =	sshrl.u32 s6, $0x1;
	s7 =	sshrl.u32 s7, $0x3;
	s8 =	sand.u32 $0x33800, s8  }
0xb: {  	s9 =	ssub.s32 s6, s9;
	s7 =	sadd.s32 s7, s4;
	s8 =	sshrl.u32 s8, $0x3  }
0xc: {  	s9 =	smax.u32 s9, $0x1;
	s4 =	sadd.s32 s5, s8;
	s5 =	sadd.s32 $0x200, s7  }
0xd: {  	s6 =	sadd.s32 $0x800, s4;
	s7 =	sadd.s32 $0x1000, s4;
	s8 =	sadd.s32 $0x1800, s4  }
.LBB2_1:
0xe: {  	[tilespmem:s2], [sflag:$0x1] =	stream.linear.gather [hbm4b:s3+s2], $0x4000, $0x38;
	[tilespmem:$0x6800] =	vst v63  }
0xf: {  	_ =	swait.ge [sflag:s10], $0x4000  }
0x10: {  	[sflag:s10] =	ssyncset.done $0x0  }
0x11: {  	s16 =	simm.s32 $0x4000;
	[sflag:s10] =	ssyncadd.s32 $0xFFFFC000  }
0x12: {  	[tilespmem:s16], [sflag:$0x1] =	stream.linear.gather [hbm4b:s5+s2], $0x800, $0x38;
	[tilespmem:$0x6800] =	vst v63  }
0x13: {  	_ =	swait.ge [sflag:s10], $0x800  }
0x14: {  	[sflag:s10] =	ssyncset.done $0x0  }
0x15: {  	[sflag:s10] =	ssyncadd.s32 $0xFFFFF800  }
0x16: {  	v0 =	vld [tilespmem:s16+$0x0];
	_ =	sdelay $0x4  }
0x17: {  	v0 =	vshll.u32 v0, $0x2;
	_ =	sdelay $0x4  }
0x18: {  	v1 =	vld.idx.msk [tilespmem:v0+s2+$0x0], $0xffff  }
0x19: {  	v2 =	vor.u32 $0x1, v0;
	_ =	sdelay $0x3  }
0x1a: {  	[tilespmem:s11+$0x0] =	vst v1  }
0x1b: {  	v1 =	vld.idx.msk [tilespmem:v2+s2+$0x0], $0xffff  }
0x1c: {  	v2 =	vor.u32 $0x2, v0;
	_ =	sdelay $0x2  }
0x1d: {  	s19 =	sand.u32 $0x7F0, s2  }
0x1e: {  	[tilespmem:s19+$0x5000] =	vst v1  }
0x1f: {  	v1 =	vld.idx.msk [tilespmem:v2+s2+$0x0], $0xffff  }
0x20: {  	v0 =	vor.u32 $0x3, v0;
	_ =	sdelay $0x3  }
0x21: {  	[tilespmem:s19+$0x5800] =	vst v1  }
0x22: {  	s17 =	simm.s32 $0x10;
	s18 =	simm.s32 $0x4800;
	v0 =	vld.idx.msk [tilespmem:v0+s2+$0x0], $0xffff  }
.LBB2_2:
0x23: {  	_ =	sdelay $0x3  }
0x24: {  	p0 =	sne.s32 s17, $0x7F0;
	s16 =	sadd.s32 $0x10, s16;
	s18 =	sadd.s32 $0x10, s18;
	[tilespmem:s19+$0x6000] =	vst v0  }
0x25: {  	s19 =	smov.u32 s17;
	s17 =	sadd.s32 $0x10, s17;
	v0 =	vld [tilespmem:s16+$0x0];
	_ =	sdelay $0x4  }
0x26: {  	v0 =	vshll.u32 v0, $0x2;
	_ =	sdelay $0x4  }
0x27: {  	v1 =	vld.idx.msk [tilespmem:v0+s2+$0x0], $0xffff;
	_ =	sdelay $0x1  }
0x28: {  	v2 =	vor.u32 $0x1, v0;
	_ =	sdelay $0x3  }
0x29: {  	[tilespmem:s18+$0x0] =	vst v1  }
0x2a: {  	v1 =	vld.idx.msk [tilespmem:v2+s2+$0x0], $0xffff;
	_ =	sdelay $0x1  }
0x2b: {  	v2 =	vor.u32 $0x2, v0;
	_ =	sdelay $0x2  }
0x2c: {  	s19 =	sand.u32 $0x7F0, s19  }
0x2d: {  	[tilespmem:s19+$0x5000] =	vst v1  }
0x2e: {  	v1 =	vld.idx.msk [tilespmem:v2+s2+$0x0], $0xffff;
	_ =	sdelay $0x1  }
0x2f: {  	v0 =	vor.u32 $0x3, v0  }
.Ltmp0:
0x30: {  	(pc) =	sbr.rel @p0 .LBB2_2-.Ltmp0, $3  }
0x31: {  	_ =	sdelay $0x1  }
0x32: {  	[tilespmem:s19+$0x5800] =	vst v1  }
0x33: {  	v0 =	vld.idx.msk [tilespmem:v0+s2+$0x0], $0xffff  }
0x34: {  	_ =	sdelay $0x3  }
0x35: {  	[tilespmem:s19+$0x6000] =	vst v0  }
0x36: {  	[hbm4b:s4+s2] =	stream.linear.scatter [tilespmem:s11], [sflag:$0x1], $0x800, $0x38;
	[tilespmem:$0x6800] =	vst v63  }
0x37: {  	_ =	swait.ge [sflag:s10], $0x800  }
0x38: {  	[sflag:s10] =	ssyncset.done $0x0  }
0x39: {  	[sflag:s10] =	ssyncadd.s32 $0xFFFFF800  }
0x3a: {  	[hbm4b:s6+s2] =	stream.linear.scatter [tilespmem:s12], [sflag:$0x1], $0x800, $0x38;
	[tilespmem:$0x6800] =	vst v63  }
0x3b: {  	_ =	swait.ge [sflag:s10], $0x800  }
0x3c: {  	[sflag:s10] =	ssyncset.done $0x0  }
0x3d: {  	[sflag:s10] =	ssyncadd.s32 $0xFFFFF800  }
0x3e: {  	[hbm4b:s7+s2] =	stream.linear.scatter [tilespmem:s13], [sflag:$0x1], $0x800, $0x38;
	[tilespmem:$0x6800] =	vst v63  }
0x3f: {  	s15 =	sadd.s32 $0x1, s15;
	_ =	swait.ge [sflag:s10], $0x800  }
0x40: {  	p0 =	sne.s32 s15, s9;
	[sflag:s10] =	ssyncset.done $0x0  }
.Ltmp1:
0x41: {  	[sflag:s10] =	ssyncadd.s32 $0xFFFFF800;
	(pc) =	sbr.rel @p0 .LBB2_1-.Ltmp1, $4  }
0x42: {  	[hbm4b:s8+s2] =	stream.linear.scatter [tilespmem:s14], [sflag:$0x1], $0x800, $0x38;
	[tilespmem:$0x6800] =	vst v63  }
0x43: {  	_ =	swait.ge [sflag:s10], $0x800  }
0x44: {  	[sflag:s10] =	ssyncset.done $0x0  }
0x45: {  	[sflag:s10] =	ssyncadd.s32 $0xFFFFF800  }
0x46: {  	_ =	sfence.sel $0x180000  }
0x47: {  	[bflag:$0x0] =	sbarrier.arrive $0xFFFF  }
0x48: {  	p0 =	sne.s32 s1, $0x0;
	_ =	strace $0x90000047  }
0x49: {  	s0 =	sadd.s32 @!p0 $0x100000, s0;
	[bflag:$0x2] =	sbarrier.arrive $0xFFFF  }
0x4a: {  	[sflag:s0] =	ssyncadd.tile.s32 @!p0 $0x1;
	_ =	shalt  }
.Lfunc_end2:
_tile_overlayer_lowered:
.L_overlay_start_2:
0x4b: {  	(tag) =	ssettag $0x2  }
0x4c: {  	s0 =	rddreg [dreg:$0x0];
	s2 =	stileid.u32  }
0x4d: {  	s1 =	rddreg [dreg:$0x1];
	p0 =	sne.s32 s2, $0x0  }
0x4e: {  	s3 =	rddreg [dreg:$0x2];
	[bflag:$0x3] =	sbarrier.arrive $0xFFFF;
	s2 =	simm.s32 @!p0 $0x1C01  }
0x4f: {  	[timem:s3], [sflag:s2] =	dma.local @!p0 [hbm:s0], s1  }
0x50: {  	s0 =	simm.s32 @!p0 $0x1  }
0x51: {  	_ =	swait.ge @!p0 [sflag:s0], s1  }
0x52: {  	s1 =	ssub.s32 @!p0 $0x0, s1;
	[sflag:s0] =	ssyncset.done @!p0 $0x0  }
0x53: {  	[sflag:s0] =	ssyncadd.s32 @!p0 s1  }
0x54: {  	[bflag:$0x3] =	sbarrier.arrive $0xFFFF  }
0x55: {  	_ =	shalt  }

</sc_bundles>
